<compile_context>
chip_gen: v7x
topology: tpu7x:2x2x1
jax: 0.10.2.dev20260603
libtpu: 0.0.44.dev20260713+nightly
codegen_flags: <defaults>
</compile_context>

<pallas_src>
import jax
import jax.numpy as jnp
from jax import lax
from jax.experimental import pallas as pl
from jax.experimental.pallas import tpu as pltpu
from jax.experimental.pallas import tpu_sc as plsc

_B = 8
_N = 112 * 112 * 96
_R = 224 * 224 * 96
_U = _R // 32
_PT = _N // 16
_WSZ = 4704
_WN = _PT // _WSZ
_OSZ = 4704
_ACC = 11 * _U
_PAD = 2048


def _sc_body(val_hbm, idx_hbm, out_hbm, acc,
             idx0, val0, idx1, val1, obuf, sem0, sem1):
    c = lax.axis_index("c")
    s = lax.axis_index("s")
    iota = lax.iota(jnp.int32, 16)
    zero16 = jnp.zeros((16,), jnp.float32)

    def zv(i, carry):
        obuf[pl.ds(i * 16, 16)] = zero16
        return carry

    lax.fori_loop(0, _OSZ // 16, zv, 0)

    def task(b, cbase, csz_u):
        csz = csz_u * _U
        out_base = b * _R + cbase
        tile_w = csz_u * (_U // 16)

        def zwin(k, carry):
            pltpu.sync_copy(obuf, acc.at[pl.ds(s * tile_w + k * _OSZ, _OSZ)])
            return carry

        lax.fori_loop(0, tile_w // _OSZ, zwin, 0)
        plsc.subcore_barrier()

        base_hbm = b * _N + s * _PT

        def fire(w, ib, vb, sem):
            pltpu.async_copy(idx_hbm.at[pl.ds(base_hbm + w * _WSZ, _WSZ)],
                             ib, sem)
            pltpu.async_copy(val_hbm.at[pl.ds(base_hbm + w * _WSZ, _WSZ)],
                             vb, sem)

        def drain(ib, vb, sem):
            pltpu.make_async_copy(idx_hbm.at[pl.ds(0, _WSZ)], ib, sem).wait()
            pltpu.make_async_copy(val_hbm.at[pl.ds(0, _WSZ)], vb, sem).wait()

        def xform(ib):
            @plsc.parallel_loop(0, _WSZ // 16, unroll=4)
            def body(j):
                lv = ib[pl.ds(j * 16, 16)] - cbase
                m = lv.astype(jnp.uint32) < csz.astype(jnp.uint32)
                padv = csz + ((j * 16) % _PAD) + iota
                ib[pl.ds(j * 16, 16)] = jnp.where(m, lv, padv)

        fire(0, idx0, val0, sem0)

        def block(g, carry):
            w0 = g * 2
            drain(idx0, val0, sem0)
            fire(w0 + 1, idx1, val1, sem1)
            xform(idx0)
            d0 = pltpu.async_copy(val0, acc.at[idx0], sem0, add=True)
            drain(idx1, val1, sem1)
            xform(idx1)
            d0.wait()

            @pl.when(g + 1 < _WN // 2)
            def _():
                fire(w0 + 2, idx0, val0, sem0)

            pltpu.sync_copy(val1, acc.at[idx1], add=True)
            return carry

        lax.fori_loop(0, _WN // 2, block, 0)
        plsc.subcore_barrier()

        def owin(k, carry):
            pltpu.sync_copy(acc.at[pl.ds(s * tile_w + k * _OSZ, _OSZ)], obuf)
            pltpu.sync_copy(
                obuf, out_hbm.at[pl.ds(out_base + s * tile_w + k * _OSZ, _OSZ)])
            return carry

        lax.fori_loop(0, tile_w // _OSZ, owin, 0)
        plsc.subcore_barrier()

        def rez(i, carry):
            obuf[pl.ds(i * 16, 16)] = zero16
            return carry

        lax.fori_loop(0, _OSZ // 16, rez, 0)

    def per_b(b, carry):
        even = ((b + c) % 2) == 0

        def one(k, carry2):
            cbase = jnp.where(even, 0, jnp.where(k == 0, 11 * _U, 22 * _U))
            csz_u = jnp.where(even, 11, jnp.where(k == 0, 11, 10))
            task(b, cbase, csz_u)
            return carry2

        ntask = jnp.where(even, 1, 2)
        lax.fori_loop(0, ntask, one, 0)
        return carry

    lax.fori_loop(0, _B, per_b, 0)


def kernel(inputs, indices, output_shape):
    del output_shape
    batch, _, _, chan = inputs.shape
    val = inputs.reshape(-1)
    idx = indices.reshape(-1).astype(jnp.int32)
    mesh = plsc.VectorSubcoreMesh(core_axis_name="c", subcore_axis_name="s")
    out = pl.kernel(
        _sc_body,
        out_type=jax.ShapeDtypeStruct((_B * _R,), jnp.float32),
        mesh=mesh,
        scratch_types=[
            pltpu.VMEM_SHARED((_ACC + _PAD,), jnp.float32),
            pltpu.VMEM((_WSZ,), jnp.int32),
            pltpu.VMEM((_WSZ,), jnp.float32),
            pltpu.VMEM((_WSZ,), jnp.int32),
            pltpu.VMEM((_WSZ,), jnp.float32),
            pltpu.VMEM((_OSZ,), jnp.float32),
            pltpu.SemaphoreType.DMA,
            pltpu.SemaphoreType.DMA,
        ],
    )(val, idx)
    return out.reshape(batch, 224, 224, chan)

# --- scband reference (transcript-rebuilt; emitter-appended) ---
"""Pipeline reference for scband-max-unpooling2-d-45853070852410 (READ-ONLY COPY).

The authoritative reference and input builder live on the scoring server;
editing this copy changes nothing except your own understanding.
"""

import jax, jax.numpy as jnp
import numpy as np


def setup_inputs(seed: int = 0) -> dict:
    key = jax.random.key(seed)
    k1, k2 = jax.random.split(key)
    B, H, W, C = 8, 112, 112, 96
    OH, OW = 224, 224
    inputs = jax.random.normal(k1, (B, H, W, C), dtype=jnp.float32)
    # indices as produced by max_pool_with_argmax: per-batch flat index into
    # the unpooled output of shape [OH, OW, C]
    indices = jax.random.randint(k2, (B, H, W, C), 0, OH * OW * C, dtype=jnp.int32)
    output_shape = jnp.array([B, OH, OW, C], dtype=jnp.int32)
    return {"inputs": inputs, "indices": indices, "output_shape": output_shape}


def reference(inputs, indices, output_shape):
    indices = indices.astype(jnp.int32)
    output_shape = output_shape.astype(jnp.int32)
    batch_size = inputs.shape[0]
    height = 224
    width = 224
    channels = inputs.shape[3]
    batch_range = jnp.arange(batch_size, dtype=indices.dtype)
    batch_range = batch_range.reshape(batch_size, 1, 1, 1)
    b = jnp.ones_like(indices) * batch_range
    b = b.reshape(-1)
    flat_indices = indices.reshape(-1)
    flat_indices = flat_indices + b * output_shape[1] * output_shape[2] * output_shape[3]
    flat_inputs = inputs.reshape(-1)
    # tf.scatter_nd accumulates duplicate indices -> scatter-add
    ret = jnp.zeros((batch_size * height * width * channels,), dtype=inputs.dtype)
    ret = ret.at[flat_indices].add(flat_inputs)
    ret = ret.reshape(batch_size, height, width, channels)
    return ret

if __name__ == "__main__":
    import jax
    _d = setup_inputs()
    print(jax.jit(kernel)(*tuple(_d.values())))

</pallas_src>

<mosaic_0001>
#map = affine_map<(d0, d1) -> (0)>
module attributes {stable_mosaic.version = 14 : i64} {
  func.func @_sc_body(%arg0: i32, %arg1: i32, %arg2: memref<9633792xf32, #tpu.memory_space<hbm>>, %arg3: memref<9633792xi32, #tpu.memory_space<hbm>>, %arg4: memref<38535168xf32, #tpu.memory_space<hbm>>, %arg5: memref<1657856xf32, #tpu.memory_space<vmem_shared>>, %arg6: memref<4704xi32, #tpu.memory_space<vmem>>, %arg7: memref<4704xf32, #tpu.memory_space<vmem>>, %arg8: memref<4704xi32, #tpu.memory_space<vmem>>, %arg9: memref<4704xf32, #tpu.memory_space<vmem>>, %arg10: memref<4704xf32, #tpu.memory_space<vmem>>, %arg11: memref<!tpu.dma_semaphore, #tpu.memory_space<semaphore_mem>>, %arg12: memref<!tpu.dma_semaphore, #tpu.memory_space<semaphore_mem>>) attributes {dimension_semantics = [#tpu.dimension_semantics<core_parallel>, #tpu.dimension_semantics<subcore_parallel>], iteration_bounds = array<i64: 2, 16>, scalar_prefetch = 0 : i64, scratch_operands = 8 : i64, tpu.core_type = #tpu.core_type<sc_vector_subcore>, window_params = [{transform_indices = #map}, {transform_indices = #map}, {transform_indices = #map}]} {
    %iota3A = tpu.iota {dimensions = array<i32: 0>} : vector<16xi32>
    %broadcast_in_dim3A = arith.constant 0.000000e+00 : f32
    %broadcast_in_dim3A_0 = vector.broadcast %broadcast_in_dim3A : f32 to vector<16xf32>
    %scan3A = arith.constant 0 : i32
    %scan3A_1 = arith.constant 0 : i32
    %scan3A_2 = arith.constant 294 : i32
    %scan3A_3 = arith.addi %scan3A_1, %scan3A_2 : i32
    %scan3A_4 = arith.constant 1 : i32
    scf.for %scan3A_12 = %scan3A_1 to %scan3A_3 step %scan3A_4  : i32 {
      %mul3A = arith.constant 16 : i32
      %mul3A_13 = arith.muli %scan3A_12, %mul3A : i32
      %swap3A = arith.index_cast %mul3A_13 : i32 to index
      %swap3A_14 = tpu.vector_load %arg10[%swap3A] {strides = array<i32>} : memref<4704xf32, #tpu.memory_space<vmem>>, vector<16xf32>,
      %swap3A_15 = vector.shape_cast %swap3A_14 : vector<16xf32> to vector<16xf32>
      %swap3A_16 = vector.shape_cast %broadcast_in_dim3A_0 : vector<16xf32> to vector<16xf32>
      tpu.vector_store %arg10[%swap3A], %swap3A_16 {strides = array<i32>} : memref<4704xf32, #tpu.memory_space<vmem>>, vector<16xf32>,
    }
    %scan3A_5 = arith.constant 294 : i32
    %scan3A_6 = arith.constant 0 : i32
    %scan3A_7 = arith.constant 0 : i32
    %scan3A_8 = arith.constant 8 : i32
    %scan3A_9 = arith.addi %scan3A_7, %scan3A_8 : i32
    %scan3A_10 = arith.constant 1 : i32
    scf.for %scan3A_12 = %scan3A_7 to %scan3A_9 step %scan3A_10  : i32 {
      %add3A = arith.addi %scan3A_12, %arg0 : i32
      %jit3A = arith.constant 2 : i32
      %eq3A = arith.constant 0 : i32
      %eq3A_13 = arith.cmpi eq, %jit3A, %eq3A : i32
      %jit3A_14 = arith.constant 1 : i32
      %select_n3A = arith.select %eq3A_13, %jit3A_14, %jit3A : i32
      %rem3A = arith.remsi %add3A, %select_n3A : i32
      %ne3A = arith.constant 0 : i32
      %ne3A_15 = arith.cmpi ne, %rem3A, %ne3A : i32
      %lt3A = arith.constant 0 : i32
      %lt3A_16 = arith.cmpi slt, %rem3A, %lt3A : i32
      %lt3A_17 = arith.constant 0 : i32
      %lt3A_18 = arith.cmpi slt, %select_n3A, %lt3A_17 : i32
      %ne3A_19 = arith.xori %lt3A_16, %lt3A_18 : i1
      %and3A = arith.andi %ne3A_19, %ne3A_15 : i1
      %add3A_20 = arith.addi %rem3A, %select_n3A : i32
      %select_n3A_21 = arith.select %and3A, %add3A_20, %rem3A : i32
      %eq3A_22 = arith.constant 0 : i32
      %eq3A_23 = arith.cmpi eq, %select_n3A_21, %eq3A_22 : i32
      %jit3A_24 = arith.constant 1 : i32
      %jit3A_25 = arith.constant 2 : i32
      %select_n3A_26 = arith.select %eq3A_23, %jit3A_24, %jit3A_25 : i32
      %while3A = arith.constant 0 : i32
      %while3A_27 = arith.constant 0 : i32
      %while3A_28 = arith.subi %select_n3A_26, %while3A_27 : i32
      %while3A_29 = arith.addi %while3A_27, %while3A_28 : i32
      %while3A_30 = arith.constant 1 : i32
      %while3A_31 = arith.divsi %while3A_28, %while3A_30 : i32
      %while3A_32 = arith.muli %while3A_31, %while3A_30 : i32
      %while3A_33 = arith.addi %while3A_27, %while3A_32 : i32
      %while3A_34 = arith.constant 1 : i32
      scf.for %while3A_36 = %while3A_27 to %while3A_33 step %while3A_34  : i32 {
        %eq3A_37 = arith.constant 0 : i32
        %eq3A_38 = arith.cmpi eq, %while3A_36, %eq3A_37 : i32
        %jit3A_39 = arith.constant 1655808 : i32
        %jit3A_40 = arith.constant 3311616 : i32
        %select_n3A_41 = arith.select %eq3A_38, %jit3A_39, %jit3A_40 : i32
        %jit3A_42 = arith.constant 0 : i32
        %select_n3A_43 = arith.select %eq3A_23, %jit3A_42, %select_n3A_41 : i32
        %eq3A_44 = arith.constant 0 : i32
        %eq3A_45 = arith.cmpi eq, %while3A_36, %eq3A_44 : i32
        %jit3A_46 = arith.constant 11 : i32
        %jit3A_47 = arith.constant 10 : i32
        %select_n3A_48 = arith.select %eq3A_45, %jit3A_46, %jit3A_47 : i32
        %jit3A_49 = arith.constant 11 : i32
        %select_n3A_50 = arith.select %eq3A_23, %jit3A_49, %select_n3A_48 : i32
        %mul3A = arith.constant 150528 : i32
        %mul3A_51 = arith.muli %select_n3A_50, %mul3A : i32
        %mul3A_52 = arith.constant 4816896 : i32
        %mul3A_53 = arith.muli %scan3A_12, %mul3A_52 : i32
        %add3A_54 = arith.addi %mul3A_53, %select_n3A_43 : i32
        %mul3A_55 = arith.constant 9408 : i32
        %mul3A_56 = arith.muli %select_n3A_50, %mul3A_55 : i32
        %jit3A_57 = arith.constant 4704 : i32
        %div3A = arith.divsi %mul3A_56, %jit3A_57 : i32
        %sign3A = arith.constant 0 : i32
        %sign3A_58 = arith.cmpi sgt, %mul3A_56, %sign3A : i32
        %sign3A_59 = arith.extui %sign3A_58 : i1 to i32
        %sign3A_60 = arith.constant 0 : i32
        %sign3A_61 = arith.cmpi slt, %mul3A_56, %sign3A_60 : i32
        %sign3A_62 = arith.extui %sign3A_61 : i1 to i32
        %sign3A_63 = arith.subi %sign3A_59, %sign3A_62 : i32
        %sign3A_64 = arith.constant 0 : i32
        %sign3A_65 = arith.cmpi sgt, %jit3A_57, %sign3A_64 : i32
        %sign3A_66 = arith.extui %sign3A_65 : i1 to i32
        %sign3A_67 = arith.constant 0 : i32
        %sign3A_68 = arith.cmpi slt, %jit3A_57, %sign3A_67 : i32
        %sign3A_69 = arith.extui %sign3A_68 : i1 to i32
        %sign3A_70 = arith.subi %sign3A_66, %sign3A_69 : i32
        %ne3A_71 = arith.cmpi ne, %sign3A_63, %sign3A_70 : i32
        %rem3A_72 = arith.remsi %mul3A_56, %jit3A_57 : i32
        %ne3A_73 = arith.constant 0 : i32
        %ne3A_74 = arith.cmpi ne, %rem3A_72, %ne3A_73 : i32
        %and3A_75 = arith.andi %ne3A_71, %ne3A_74 : i1
        %sub3A = arith.constant 1 : i32
        %sub3A_76 = arith.subi %div3A, %sub3A : i32
        %select_n3A_77 = arith.select %and3A_75, %sub3A_76, %div3A : i32
        %while3A_78 = arith.constant 0 : i32
        %while3A_79 = arith.constant 0 : i32
        %while3A_80 = arith.subi %select_n3A_77, %while3A_79 : i32
        %while3A_81 = arith.addi %while3A_79, %while3A_80 : i32
        %while3A_82 = arith.constant 1 : i32
        %while3A_83 = arith.divsi %while3A_80, %while3A_82 : i32
        %while3A_84 = arith.muli %while3A_83, %while3A_82 : i32
        %while3A_85 = arith.addi %while3A_79, %while3A_84 : i32
        %while3A_86 = arith.constant 1 : i32
        scf.for %while3A_148 = %while3A_79 to %while3A_85 step %while3A_86  : i32 {
          %mul3A_149 = arith.muli %arg1, %mul3A_56 : i32
          %mul3A_150 = arith.constant 4704 : i32
          %mul3A_151 = arith.muli %while3A_148, %mul3A_150 : i32
          %add3A_152 = arith.addi %mul3A_149, %mul3A_151 : i32
          "tpu.region"() ({
            %run_scoped3A = tpu.sem_alloc : memref<!tpu.dma_semaphore, #tpu.memory_space<semaphore_mem>>
            %dma_start3A_153 = tpu.memref_slice %arg5[%add3A_152] : memref<1657856xf32, #tpu.memory_space<vmem_shared>> -> memref<4704xf32, #tpu.memory_space<vmem_shared>>
            %dma_start3A_154 = tpu.memref_slice %arg5[%add3A_152] : memref<1657856xf32, #tpu.memory_space<vmem_shared>> -> memref<4704xf32, #tpu.memory_space<vmem_shared>>
            tpu.enqueue_dma source(%arg10 : memref<4704xf32, #tpu.memory_space<vmem>>) target(%dma_start3A_154 : memref<4704xf32, #tpu.memory_space<vmem_shared>>) target_semaphore(%run_scoped3A : memref<!tpu.dma_semaphore, #tpu.memory_space<semaphore_mem>>)
            %dma_wait3A = tpu.memref_slice %arg5[%add3A_152] : memref<1657856xf32, #tpu.memory_space<vmem_shared>> -> memref<4704xf32, #tpu.memory_space<vmem_shared>>
            %dma_wait3A_155 = tpu.memref_slice %arg5[%add3A_152] : memref<1657856xf32, #tpu.memory_space<vmem_shared>> -> memref<4704xf32, #tpu.memory_space<vmem_shared>>
            tpu.wait_dma2 semaphore(%run_scoped3A : memref<!tpu.dma_semaphore, #tpu.memory_space<semaphore_mem>>) src(%arg10 : memref<4704xf32, #tpu.memory_space<vmem>>) dst(%dma_wait3A_155 : memref<4704xf32, #tpu.memory_space<vmem_shared>>)
            tpu.yield
          }) : () -> ()
        }
        %while3A_87 = arith.constant 1 : i32
        scf.for %while3A_148 = %while3A_85 to %while3A_81 step %while3A_87  : i32 {
          %mul3A_149 = arith.muli %arg1, %mul3A_56 : i32
          %mul3A_150 = arith.constant 4704 : i32
          %mul3A_151 = arith.muli %while3A_148, %mul3A_150 : i32
          %add3A_152 = arith.addi %mul3A_149, %mul3A_151 : i32
          "tpu.region"() ({
            %run_scoped3A = tpu.sem_alloc : memref<!tpu.dma_semaphore, #tpu.memory_space<semaphore_mem>>
            %dma_start3A_153 = tpu.memref_slice %arg5[%add3A_152] : memref<1657856xf32, #tpu.memory_space<vmem_shared>> -> memref<4704xf32, #tpu.memory_space<vmem_shared>>
            %dma_start3A_154 = tpu.memref_slice %arg5[%add3A_152] : memref<1657856xf32, #tpu.memory_space<vmem_shared>> -> memref<4704xf32, #tpu.memory_space<vmem_shared>>
            tpu.enqueue_dma source(%arg10 : memref<4704xf32, #tpu.memory_space<vmem>>) target(%dma_start3A_154 : memref<4704xf32, #tpu.memory_space<vmem_shared>>) target_semaphore(%run_scoped3A : memref<!tpu.dma_semaphore, #tpu.memory_space<semaphore_mem>>)
            %dma_wait3A = tpu.memref_slice %arg5[%add3A_152] : memref<1657856xf32, #tpu.memory_space<vmem_shared>> -> memref<4704xf32, #tpu.memory_space<vmem_shared>>
            %dma_wait3A_155 = tpu.memref_slice %arg5[%add3A_152] : memref<1657856xf32, #tpu.memory_space<vmem_shared>> -> memref<4704xf32, #tpu.memory_space<vmem_shared>>
            tpu.wait_dma2 semaphore(%run_scoped3A : memref<!tpu.dma_semaphore, #tpu.memory_space<semaphore_mem>>) src(%arg10 : memref<4704xf32, #tpu.memory_space<vmem>>) dst(%dma_wait3A_155 : memref<4704xf32, #tpu.memory_space<vmem_shared>>)
            tpu.yield
          }) : () -> ()
        }
        %barrier3A = arith.constant 0 : index
        tpu.barrier barrier_id(%barrier3A)
        %mul3A_88 = arith.constant 1204224 : i32
        %mul3A_89 = arith.muli %scan3A_12, %mul3A_88 : i32
        %mul3A_90 = arith.constant 75264 : i32
        %mul3A_91 = arith.muli %arg1, %mul3A_90 : i32
        %add3A_92 = arith.addi %mul3A_89, %mul3A_91 : i32
        %add3A_93 = arith.constant 0 : i32
        %add3A_94 = arith.addi %add3A_92, %add3A_93 : i32
        %dma_start3A = tpu.memref_slice %arg3[%add3A_94] : memref<9633792xi32, #tpu.memory_space<hbm>> -> memref<4704xi32, #tpu.memory_space<hbm>>
        %dma_start3A_95 = tpu.memref_slice %arg3[%add3A_94] : memref<9633792xi32, #tpu.memory_space<hbm>> -> memref<4704xi32, #tpu.memory_space<hbm>>
        tpu.enqueue_dma source(%dma_start3A_95 : memref<4704xi32, #tpu.memory_space<hbm>>) target(%arg6 : memref<4704xi32, #tpu.memory_space<vmem>>) target_semaphore(%arg11 : memref<!tpu.dma_semaphore, #tpu.memory_space<semaphore_mem>>)
        %add3A_96 = arith.constant 0 : i32
        %add3A_97 = arith.addi %add3A_92, %add3A_96 : i32
        %dma_start3A_98 = tpu.memref_slice %arg2[%add3A_97] : memref<9633792xf32, #tpu.memory_space<hbm>> -> memref<4704xf32, #tpu.memory_space<hbm>>
        %dma_start3A_99 = tpu.memref_slice %arg2[%add3A_97] : memref<9633792xf32, #tpu.memory_space<hbm>> -> memref<4704xf32, #tpu.memory_space<hbm>>
        tpu.enqueue_dma source(%dma_start3A_99 : memref<4704xf32, #tpu.memory_space<hbm>>) target(%arg7 : memref<4704xf32, #tpu.memory_space<vmem>>) target_semaphore(%arg11 : memref<!tpu.dma_semaphore, #tpu.memory_space<semaphore_mem>>)
        %scan3A_100 = arith.constant 0 : i32
        %scan3A_101 = arith.constant 0 : i32
        %scan3A_102 = arith.constant 8 : i32
        %scan3A_103 = arith.addi %scan3A_101, %scan3A_102 : i32
        %scan3A_104 = arith.constant 1 : i32
        scf.for %scan3A_148 = %scan3A_101 to %scan3A_103 step %scan3A_104  : i32 {
          %mul3A_149 = arith.constant 2 : i32
          %mul3A_150 = arith.muli %scan3A_148, %mul3A_149 : i32
          %dma_wait3A = arith.constant 0 : i32
          %dma_wait3A_151 = tpu.memref_slice %arg3[%dma_wait3A] : memref<9633792xi32, #tpu.memory_space<hbm>> -> memref<4704xi32, #tpu.memory_space<hbm>>
          %dma_wait3A_152 = arith.constant 0 : i32
          %dma_wait3A_153 = tpu.memref_slice %arg3[%dma_wait3A_152] : memref<9633792xi32, #tpu.memory_space<hbm>> -> memref<4704xi32, #tpu.memory_space<hbm>>
          tpu.wait_dma2 semaphore(%arg11 : memref<!tpu.dma_semaphore, #tpu.memory_space<semaphore_mem>>) src(%dma_wait3A_153 : memref<4704xi32, #tpu.memory_space<hbm>>) dst(%arg6 : memref<4704xi32, #tpu.memory_space<vmem>>)
          %dma_wait3A_154 = arith.constant 0 : i32
          %dma_wait3A_155 = tpu.memref_slice %arg2[%dma_wait3A_154] : memref<9633792xf32, #tpu.memory_space<hbm>> -> memref<4704xf32, #tpu.memory_space<hbm>>
          %dma_wait3A_156 = arith.constant 0 : i32
          %dma_wait3A_157 = tpu.memref_slice %arg2[%dma_wait3A_156] : memref<9633792xf32, #tpu.memory_space<hbm>> -> memref<4704xf32, #tpu.memory_space<hbm>>
          tpu.wait_dma2 semaphore(%arg11 : memref<!tpu.dma_semaphore, #tpu.memory_space<semaphore_mem>>) src(%dma_wait3A_157 : memref<4704xf32, #tpu.memory_space<hbm>>) dst(%arg7 : memref<4704xf32, #tpu.memory_space<vmem>>)
          %add3A_158 = arith.constant 1 : i32
          %add3A_159 = arith.addi %mul3A_150, %add3A_158 : i32
          %mul3A_160 = arith.constant 4704 : i32
          %mul3A_161 = arith.muli %add3A_159, %mul3A_160 : i32
          %add3A_162 = arith.addi %add3A_92, %mul3A_161 : i32
          %dma_start3A_163 = tpu.memref_slice %arg3[%add3A_162] : memref<9633792xi32, #tpu.memory_space<hbm>> -> memref<4704xi32, #tpu.memory_space<hbm>>
          %dma_start3A_164 = tpu.memref_slice %arg3[%add3A_162] : memref<9633792xi32, #tpu.memory_space<hbm>> -> memref<4704xi32, #tpu.memory_space<hbm>>
          tpu.enqueue_dma source(%dma_start3A_164 : memref<4704xi32, #tpu.memory_space<hbm>>) target(%arg8 : memref<4704xi32, #tpu.memory_space<vmem>>) target_semaphore(%arg12 : memref<!tpu.dma_semaphore, #tpu.memory_space<semaphore_mem>>)
          %mul3A_165 = arith.constant 4704 : i32
          %mul3A_166 = arith.muli %add3A_159, %mul3A_165 : i32
          %add3A_167 = arith.addi %add3A_92, %mul3A_166 : i32
          %dma_start3A_168 = tpu.memref_slice %arg2[%add3A_167] : memref<9633792xf32, #tpu.memory_space<hbm>> -> memref<4704xf32, #tpu.memory_space<hbm>>
          %dma_start3A_169 = tpu.memref_slice %arg2[%add3A_167] : memref<9633792xf32, #tpu.memory_space<hbm>> -> memref<4704xf32, #tpu.memory_space<hbm>>
          tpu.enqueue_dma source(%dma_start3A_169 : memref<4704xf32, #tpu.memory_space<hbm>>) target(%arg9 : memref<4704xf32, #tpu.memory_space<vmem>>) target_semaphore(%arg12 : memref<!tpu.dma_semaphore, #tpu.memory_space<semaphore_mem>>)
          %parallel_loop3A = arith.constant 0 : i32
          %parallel_loop3A_170 = arith.constant 294 : i32
          %parallel_loop3A_171 = arith.constant 1 : i32
          scf.for %parallel_loop3A_192 = %parallel_loop3A to %parallel_loop3A_170 step %parallel_loop3A_171  : i32 {
            %parallel_loop3A_193 = arith.constant 16 : i32
            %parallel_loop3A_194 = arith.muli %parallel_loop3A_192, %parallel_loop3A_193 : i32
            %parallel_loop3A_195 = arith.index_cast %parallel_loop3A_194 : i32 to index
            %parallel_loop3A_196 = tpu.vector_load %arg6[%parallel_loop3A_195] {strides = array<i32>} : memref<4704xi32, #tpu.memory_space<vmem>>, vector<16xi32>,
            %parallel_loop3A_197 = vector.shape_cast %parallel_loop3A_196 : vector<16xi32> to vector<16xi32>
            %parallel_loop3A_198 = vector.broadcast %select_n3A_43 : i32 to vector<16xi32>
            %parallel_loop3A_199 = arith.subi %parallel_loop3A_197, %parallel_loop3A_198 : vector<16xi32>
            %parallel_loop3A_200 = vector.broadcast %mul3A_51 : i32 to vector<16xi32>
            %parallel_loop3A_201 = arith.cmpi ult, %parallel_loop3A_199, %parallel_loop3A_200 : vector<16xi32>
            %parallel_loop3A_202 = arith.constant 16 : i32
            %parallel_loop3A_203 = arith.muli %parallel_loop3A_192, %parallel_loop3A_202 : i32
            %parallel_loop3A_204 = arith.constant 2048 : i32
            %parallel_loop3A_205 = arith.constant 0 : i32
            %parallel_loop3A_206 = arith.cmpi eq, %parallel_loop3A_204, %parallel_loop3A_205 : i32
            %parallel_loop3A_207 = arith.constant 1 : i32
            %parallel_loop3A_208 = arith.select %parallel_loop3A_206, %parallel_loop3A_207, %parallel_loop3A_204 : i32
            %parallel_loop3A_209 = arith.remsi %parallel_loop3A_203, %parallel_loop3A_208 : i32
            %parallel_loop3A_210 = arith.constant 0 : i32
            %parallel_loop3A_211 = arith.cmpi ne, %parallel_loop3A_209, %parallel_loop3A_210 : i32
            %parallel_loop3A_212 = arith.constant 0 : i32
            %parallel_loop3A_213 = arith.cmpi slt, %parallel_loop3A_209, %parallel_loop3A_212 : i32
            %parallel_loop3A_214 = arith.constant 0 : i32
            %parallel_loop3A_215 = arith.cmpi slt, %parallel_loop3A_208, %parallel_loop3A_214 : i32
            %parallel_loop3A_216 = arith.xori %parallel_loop3A_213, %parallel_loop3A_215 : i1
            %parallel_loop3A_217 = arith.andi %parallel_loop3A_216, %parallel_loop3A_211 : i1
            %parallel_loop3A_218 = arith.addi %parallel_loop3A_209, %parallel_loop3A_208 : i32
            %parallel_loop3A_219 = arith.select %parallel_loop3A_217, %parallel_loop3A_218, %parallel_loop3A_209 : i32
            %parallel_loop3A_220 = arith.addi %mul3A_51, %parallel_loop3A_219 : i32
            %parallel_loop3A_221 = vector.broadcast %parallel_loop3A_220 : i32 to vector<16xi32>
            %parallel_loop3A_222 = arith.addi %parallel_loop3A_221, %iota3A : vector<16xi32>
            %parallel_loop3A_223 = arith.select %parallel_loop3A_201, %parallel_loop3A_199, %parallel_loop3A_222 : vector<16xi1>, vector<16xi32>
            %parallel_loop3A_224 = arith.constant 16 : i32
            %parallel_loop3A_225 = arith.muli %parallel_loop3A_192, %parallel_loop3A_224 : i32
            %parallel_loop3A_226 = arith.index_cast %parallel_loop3A_225 : i32 to index
            %parallel_loop3A_227 = tpu.vector_load %arg6[%parallel_loop3A_226] {strides = array<i32>} : memref<4704xi32, #tpu.memory_space<vmem>>, vector<16xi32>,
            %parallel_loop3A_228 = vector.shape_cast %parallel_loop3A_227 : vector<16xi32> to vector<16xi32>
            %parallel_loop3A_229 = vector.shape_cast %parallel_loop3A_223 : vector<16xi32> to vector<16xi32>
            tpu.vector_store %arg6[%parallel_loop3A_226], %parallel_loop3A_229 {strides = array<i32>} : memref<4704xi32, #tpu.memory_space<vmem>>, vector<16xi32>,
          } {sc.loop_unroll_factor = 4 : i64, sc.parallel_access}
          %dma_start3A_172 = arith.constant 0 : i32
          %dma_start3A_173 = tpu.memref_slice %arg5[%dma_start3A_172] : memref<1657856xf32, #tpu.memory_space<vmem_shared>> -> memref<1657856xf32, #tpu.memory_space<vmem_shared>>
          tpu.enqueue_indirect_dma source(%arg7 : memref<4704xf32, #tpu.memory_space<vmem>>) target(%dma_start3A_173 : memref<1657856xf32, #tpu.memory_space<vmem_shared>>) offsets(%arg6 : memref<4704xi32, #tpu.memory_space<vmem>>) semaphore(%arg11 : memref<!tpu.dma_semaphore, #tpu.memory_space<semaphore_mem>>) {add = true}
          %dma_wait3A_174 = arith.constant 0 : i32
          %dma_wait3A_175 = tpu.memref_slice %arg3[%dma_wait3A_174] : memref<9633792xi32, #tpu.memory_space<hbm>> -> memref<4704xi32, #tpu.memory_space<hbm>>
          %dma_wait3A_176 = arith.constant 0 : i32
          %dma_wait3A_177 = tpu.memref_slice %arg3[%dma_wait3A_176] : memref<9633792xi32, #tpu.memory_space<hbm>> -> memref<4704xi32, #tpu.memory_space<hbm>>
          tpu.wait_dma2 semaphore(%arg12 : memref<!tpu.dma_semaphore, #tpu.memory_space<semaphore_mem>>) src(%dma_wait3A_177 : memref<4704xi32, #tpu.memory_space<hbm>>) dst(%arg8 : memref<4704xi32, #tpu.memory_space<vmem>>)
          %dma_wait3A_178 = arith.constant 0 : i32
          %dma_wait3A_179 = tpu.memref_slice %arg2[%dma_wait3A_178] : memref<9633792xf32, #tpu.memory_space<hbm>> -> memref<4704xf32, #tpu.memory_space<hbm>>
          %dma_wait3A_180 = arith.constant 0 : i32
          %dma_wait3A_181 = tpu.memref_slice %arg2[%dma_wait3A_180] : memref<9633792xf32, #tpu.memory_space<hbm>> -> memref<4704xf32, #tpu.memory_space<hbm>>
          tpu.wait_dma2 semaphore(%arg12 : memref<!tpu.dma_semaphore, #tpu.memory_space<semaphore_mem>>) src(%dma_wait3A_181 : memref<4704xf32, #tpu.memory_space<hbm>>) dst(%arg9 : memref<4704xf32, #tpu.memory_space<vmem>>)
          %parallel_loop3A_182 = arith.constant 0 : i32
          %parallel_loop3A_183 = arith.constant 294 : i32
          %parallel_loop3A_184 = arith.constant 1 : i32
          scf.for %parallel_loop3A_192 = %parallel_loop3A_182 to %parallel_loop3A_183 step %parallel_loop3A_184  : i32 {
            %parallel_loop3A_193 = arith.constant 16 : i32
            %parallel_loop3A_194 = arith.muli %parallel_loop3A_192, %parallel_loop3A_193 : i32
            %parallel_loop3A_195 = arith.index_cast %parallel_loop3A_194 : i32 to index
            %parallel_loop3A_196 = tpu.vector_load %arg8[%parallel_loop3A_195] {strides = array<i32>} : memref<4704xi32, #tpu.memory_space<vmem>>, vector<16xi32>,
            %parallel_loop3A_197 = vector.shape_cast %parallel_loop3A_196 : vector<16xi32> to vector<16xi32>
            %parallel_loop3A_198 = vector.broadcast %select_n3A_43 : i32 to vector<16xi32>
            %parallel_loop3A_199 = arith.subi %parallel_loop3A_197, %parallel_loop3A_198 : vector<16xi32>
            %parallel_loop3A_200 = vector.broadcast %mul3A_51 : i32 to vector<16xi32>
            %parallel_loop3A_201 = arith.cmpi ult, %parallel_loop3A_199, %parallel_loop3A_200 : vector<16xi32>
            %parallel_loop3A_202 = arith.constant 16 : i32
            %parallel_loop3A_203 = arith.muli %parallel_loop3A_192, %parallel_loop3A_202 : i32
            %parallel_loop3A_204 = arith.constant 2048 : i32
            %parallel_loop3A_205 = arith.constant 0 : i32
            %parallel_loop3A_206 = arith.cmpi eq, %parallel_loop3A_204, %parallel_loop3A_205 : i32
            %parallel_loop3A_207 = arith.constant 1 : i32
            %parallel_loop3A_208 = arith.select %parallel_loop3A_206, %parallel_loop3A_207, %parallel_loop3A_204 : i32
            %parallel_loop3A_209 = arith.remsi %parallel_loop3A_203, %parallel_loop3A_208 : i32
            %parallel_loop3A_210 = arith.constant 0 : i32
            %parallel_loop3A_211 = arith.cmpi ne, %parallel_loop3A_209, %parallel_loop3A_210 : i32
            %parallel_loop3A_212 = arith.constant 0 : i32
            %parallel_loop3A_213 = arith.cmpi slt, %parallel_loop3A_209, %parallel_loop3A_212 : i32
            %parallel_loop3A_214 = arith.constant 0 : i32
            %parallel_loop3A_215 = arith.cmpi slt, %parallel_loop3A_208, %parallel_loop3A_214 : i32
            %parallel_loop3A_216 = arith.xori %parallel_loop3A_213, %parallel_loop3A_215 : i1
            %parallel_loop3A_217 = arith.andi %parallel_loop3A_216, %parallel_loop3A_211 : i1
            %parallel_loop3A_218 = arith.addi %parallel_loop3A_209, %parallel_loop3A_208 : i32
            %parallel_loop3A_219 = arith.select %parallel_loop3A_217, %parallel_loop3A_218, %parallel_loop3A_209 : i32
            %parallel_loop3A_220 = arith.addi %mul3A_51, %parallel_loop3A_219 : i32
            %parallel_loop3A_221 = vector.broadcast %parallel_loop3A_220 : i32 to vector<16xi32>
            %parallel_loop3A_222 = arith.addi %parallel_loop3A_221, %iota3A : vector<16xi32>
            %parallel_loop3A_223 = arith.select %parallel_loop3A_201, %parallel_loop3A_199, %parallel_loop3A_222 : vector<16xi1>, vector<16xi32>
            %parallel_loop3A_224 = arith.constant 16 : i32
            %parallel_loop3A_225 = arith.muli %parallel_loop3A_192, %parallel_loop3A_224 : i32
            %parallel_loop3A_226 = arith.index_cast %parallel_loop3A_225 : i32 to index
            %parallel_loop3A_227 = tpu.vector_load %arg8[%parallel_loop3A_226] {strides = array<i32>} : memref<4704xi32, #tpu.memory_space<vmem>>, vector<16xi32>,
            %parallel_loop3A_228 = vector.shape_cast %parallel_loop3A_227 : vector<16xi32> to vector<16xi32>
            %parallel_loop3A_229 = vector.shape_cast %parallel_loop3A_223 : vector<16xi32> to vector<16xi32>
            tpu.vector_store %arg8[%parallel_loop3A_226], %parallel_loop3A_229 {strides = array<i32>} : memref<4704xi32, #tpu.memory_space<vmem>>, vector<16xi32>,
          } {sc.loop_unroll_factor = 4 : i64, sc.parallel_access}
          %dma_wait3A_185 = arith.constant 0 : i32
          %dma_wait3A_186 = tpu.memref_slice %arg5[%dma_wait3A_185] : memref<1657856xf32, #tpu.memory_space<vmem_shared>> -> memref<1657856xf32, #tpu.memory_space<vmem_shared>>
          tpu.wait_indirect_dma semaphore(%arg11 : memref<!tpu.dma_semaphore, #tpu.memory_space<semaphore_mem>>) src(%arg7 : memref<4704xf32, #tpu.memory_space<vmem>>) dst(%dma_wait3A_186 : memref<1657856xf32, #tpu.memory_space<vmem_shared>>)
          %add3A_187 = arith.constant 1 : i32
          %add3A_188 = arith.addi %scan3A_148, %add3A_187 : i32
          %lt3A_189 = arith.constant 8 : i32
          %lt3A_190 = arith.cmpi slt, %add3A_188, %lt3A_189 : i32
          %convert_element_type3A = arith.extui %lt3A_190 : i1 to i32
          %cond3A = arith.constant 0 : i32
          %cond3A_191 = arith.cmpi ne, %convert_element_type3A, %cond3A : i32
          scf.if %cond3A_191 {
            %add3A_192 = arith.constant 2 : i32
            %add3A_193 = arith.addi %mul3A_150, %add3A_192 : i32
            %mul3A_194 = arith.constant 4704 : i32
            %mul3A_195 = arith.muli %add3A_193, %mul3A_194 : i32
            %add3A_196 = arith.addi %add3A_92, %mul3A_195 : i32
            %dma_start3A_197 = tpu.memref_slice %arg3[%add3A_196] : memref<9633792xi32, #tpu.memory_space<hbm>> -> memref<4704xi32, #tpu.memory_space<hbm>>
            %dma_start3A_198 = tpu.memref_slice %arg3[%add3A_196] : memref<9633792xi32, #tpu.memory_space<hbm>> -> memref<4704xi32, #tpu.memory_space<hbm>>
            tpu.enqueue_dma source(%dma_start3A_198 : memref<4704xi32, #tpu.memory_space<hbm>>) target(%arg6 : memref<4704xi32, #tpu.memory_space<vmem>>) target_semaphore(%arg11 : memref<!tpu.dma_semaphore, #tpu.memory_space<semaphore_mem>>)
            %mul3A_199 = arith.constant 4704 : i32
            %mul3A_200 = arith.muli %add3A_193, %mul3A_199 : i32
            %add3A_201 = arith.addi %add3A_92, %mul3A_200 : i32
            %dma_start3A_202 = tpu.memref_slice %arg2[%add3A_201] : memref<9633792xf32, #tpu.memory_space<hbm>> -> memref<4704xf32, #tpu.memory_space<hbm>>
            %dma_start3A_203 = tpu.memref_slice %arg2[%add3A_201] : memref<9633792xf32, #tpu.memory_space<hbm>> -> memref<4704xf32, #tpu.memory_space<hbm>>
            tpu.enqueue_dma source(%dma_start3A_203 : memref<4704xf32, #tpu.memory_space<hbm>>) target(%arg7 : memref<4704xf32, #tpu.memory_space<vmem>>) target_semaphore(%arg11 : memref<!tpu.dma_semaphore, #tpu.memory_space<semaphore_mem>>)
          } else {
          }
          "tpu.region"() ({
            %run_scoped3A = tpu.sem_alloc : memref<!tpu.dma_semaphore, #tpu.memory_space<semaphore_mem>>
            %dma_start3A_192 = arith.constant 0 : i32
            %dma_start3A_193 = tpu.memref_slice %arg5[%dma_start3A_192] : memref<1657856xf32, #tpu.memory_space<vmem_shared>> -> memref<1657856xf32, #tpu.memory_space<vmem_shared>>
            tpu.enqueue_indirect_dma source(%arg9 : memref<4704xf32, #tpu.memory_space<vmem>>) target(%dma_start3A_193 : memref<1657856xf32, #tpu.memory_space<vmem_shared>>) offsets(%arg8 : memref<4704xi32, #tpu.memory_space<vmem>>) semaphore(%run_scoped3A : memref<!tpu.dma_semaphore, #tpu.memory_space<semaphore_mem>>) {add = true}
            %dma_wait3A_194 = arith.constant 0 : i32
            %dma_wait3A_195 = tpu.memref_slice %arg5[%dma_wait3A_194] : memref<1657856xf32, #tpu.memory_space<vmem_shared>> -> memref<1657856xf32, #tpu.memory_space<vmem_shared>>
            tpu.wait_indirect_dma semaphore(%run_scoped3A : memref<!tpu.dma_semaphore, #tpu.memory_space<semaphore_mem>>) src(%arg9 : memref<4704xf32, #tpu.memory_space<vmem>>) dst(%dma_wait3A_195 : memref<1657856xf32, #tpu.memory_space<vmem_shared>>)
            tpu.yield
          }) : () -> ()
        }
        %scan3A_105 = arith.constant 8 : i32
        %barrier3A_106 = arith.constant 0 : index
        tpu.barrier barrier_id(%barrier3A_106)
        %jit3A_107 = arith.constant 4704 : i32
        %div3A_108 = arith.divsi %mul3A_56, %jit3A_107 : i32
        %sign3A_109 = arith.constant 0 : i32
        %sign3A_110 = arith.cmpi sgt, %mul3A_56, %sign3A_109 : i32
        %sign3A_111 = arith.extui %sign3A_110 : i1 to i32
        %sign3A_112 = arith.constant 0 : i32
        %sign3A_113 = arith.cmpi slt, %mul3A_56, %sign3A_112 : i32
        %sign3A_114 = arith.extui %sign3A_113 : i1 to i32
        %sign3A_115 = arith.subi %sign3A_111, %sign3A_114 : i32
        %sign3A_116 = arith.constant 0 : i32
        %sign3A_117 = arith.cmpi sgt, %jit3A_107, %sign3A_116 : i32
        %sign3A_118 = arith.extui %sign3A_117 : i1 to i32
        %sign3A_119 = arith.constant 0 : i32
        %sign3A_120 = arith.cmpi slt, %jit3A_107, %sign3A_119 : i32
        %sign3A_121 = arith.extui %sign3A_120 : i1 to i32
        %sign3A_122 = arith.subi %sign3A_118, %sign3A_121 : i32
        %ne3A_123 = arith.cmpi ne, %sign3A_115, %sign3A_122 : i32
        %rem3A_124 = arith.remsi %mul3A_56, %jit3A_107 : i32
        %ne3A_125 = arith.constant 0 : i32
        %ne3A_126 = arith.cmpi ne, %rem3A_124, %ne3A_125 : i32
        %and3A_127 = arith.andi %ne3A_123, %ne3A_126 : i1
        %sub3A_128 = arith.constant 1 : i32
        %sub3A_129 = arith.subi %div3A_108, %sub3A_128 : i32
        %select_n3A_130 = arith.select %and3A_127, %sub3A_129, %div3A_108 : i32
        %while3A_131 = arith.constant 0 : i32
        %while3A_132 = arith.constant 0 : i32
        %while3A_133 = arith.subi %select_n3A_130, %while3A_132 : i32
        %while3A_134 = arith.addi %while3A_132, %while3A_133 : i32
        %while3A_135 = arith.constant 1 : i32
        %while3A_136 = arith.divsi %while3A_133, %while3A_135 : i32
        %while3A_137 = arith.muli %while3A_136, %while3A_135 : i32
        %while3A_138 = arith.addi %while3A_132, %while3A_137 : i32
        %while3A_139 = arith.constant 1 : i32
        scf.for %while3A_148 = %while3A_132 to %while3A_138 step %while3A_139  : i32 {
          %mul3A_149 = arith.muli %arg1, %mul3A_56 : i32
          %mul3A_150 = arith.constant 4704 : i32
          %mul3A_151 = arith.muli %while3A_148, %mul3A_150 : i32
          %add3A_152 = arith.addi %mul3A_149, %mul3A_151 : i32
          "tpu.region"() ({
            %run_scoped3A = tpu.sem_alloc : memref<!tpu.dma_semaphore, #tpu.memory_space<semaphore_mem>>
            %dma_start3A_158 = tpu.memref_slice %arg5[%add3A_152] : memref<1657856xf32, #tpu.memory_space<vmem_shared>> -> memref<4704xf32, #tpu.memory_space<vmem_shared>>
            %dma_start3A_159 = tpu.memref_slice %arg5[%add3A_152] : memref<1657856xf32, #tpu.memory_space<vmem_shared>> -> memref<4704xf32, #tpu.memory_space<vmem_shared>>
            tpu.enqueue_dma source(%dma_start3A_159 : memref<4704xf32, #tpu.memory_space<vmem_shared>>) target(%arg10 : memref<4704xf32, #tpu.memory_space<vmem>>) target_semaphore(%run_scoped3A : memref<!tpu.dma_semaphore, #tpu.memory_space<semaphore_mem>>)
            %dma_wait3A = tpu.memref_slice %arg5[%add3A_152] : memref<1657856xf32, #tpu.memory_space<vmem_shared>> -> memref<4704xf32, #tpu.memory_space<vmem_shared>>
            %dma_wait3A_160 = tpu.memref_slice %arg5[%add3A_152] : memref<1657856xf32, #tpu.memory_space<vmem_shared>> -> memref<4704xf32, #tpu.memory_space<vmem_shared>>
            tpu.wait_dma2 semaphore(%run_scoped3A : memref<!tpu.dma_semaphore, #tpu.memory_space<semaphore_mem>>) src(%dma_wait3A_160 : memref<4704xf32, #tpu.memory_space<vmem_shared>>) dst(%arg10 : memref<4704xf32, #tpu.memory_space<vmem>>)
            tpu.yield
          }) : () -> ()
          %mul3A_153 = arith.muli %arg1, %mul3A_56 : i32
          %add3A_154 = arith.addi %add3A_54, %mul3A_153 : i32
          %mul3A_155 = arith.constant 4704 : i32
          %mul3A_156 = arith.muli %while3A_148, %mul3A_155 : i32
          %add3A_157 = arith.addi %add3A_154, %mul3A_156 : i32
          "tpu.region"() ({
            %run_scoped3A = tpu.sem_alloc : memref<!tpu.dma_semaphore, #tpu.memory_space<semaphore_mem>>
            %dma_start3A_158 = tpu.memref_slice %arg4[%add3A_157] : memref<38535168xf32, #tpu.memory_space<hbm>> -> memref<4704xf32, #tpu.memory_space<hbm>>
            %dma_start3A_159 = tpu.memref_slice %arg4[%add3A_157] : memref<38535168xf32, #tpu.memory_space<hbm>> -> memref<4704xf32, #tpu.memory_space<hbm>>
            tpu.enqueue_dma source(%arg10 : memref<4704xf32, #tpu.memory_space<vmem>>) target(%dma_start3A_159 : memref<4704xf32, #tpu.memory_space<hbm>>) target_semaphore(%run_scoped3A : memref<!tpu.dma_semaphore, #tpu.memory_space<semaphore_mem>>)
            %dma_wait3A = tpu.memref_slice %arg4[%add3A_157] : memref<38535168xf32, #tpu.memory_space<hbm>> -> memref<4704xf32, #tpu.memory_space<hbm>>
            %dma_wait3A_160 = tpu.memref_slice %arg4[%add3A_157] : memref<38535168xf32, #tpu.memory_space<hbm>> -> memref<4704xf32, #tpu.memory_space<hbm>>
            tpu.wait_dma2 semaphore(%run_scoped3A : memref<!tpu.dma_semaphore, #tpu.memory_space<semaphore_mem>>) src(%arg10 : memref<4704xf32, #tpu.memory_space<vmem>>) dst(%dma_wait3A_160 : memref<4704xf32, #tpu.memory_space<hbm>>)
            tpu.yield
          }) : () -> ()
        }
        %while3A_140 = arith.constant 1 : i32
        scf.for %while3A_148 = %while3A_138 to %while3A_134 step %while3A_140  : i32 {
          %mul3A_149 = arith.muli %arg1, %mul3A_56 : i32
          %mul3A_150 = arith.constant 4704 : i32
          %mul3A_151 = arith.muli %while3A_148, %mul3A_150 : i32
          %add3A_152 = arith.addi %mul3A_149, %mul3A_151 : i32
          "tpu.region"() ({
            %run_scoped3A = tpu.sem_alloc : memref<!tpu.dma_semaphore, #tpu.memory_space<semaphore_mem>>
            %dma_start3A_158 = tpu.memref_slice %arg5[%add3A_152] : memref<1657856xf32, #tpu.memory_space<vmem_shared>> -> memref<4704xf32, #tpu.memory_space<vmem_shared>>
            %dma_start3A_159 = tpu.memref_slice %arg5[%add3A_152] : memref<1657856xf32, #tpu.memory_space<vmem_shared>> -> memref<4704xf32, #tpu.memory_space<vmem_shared>>
            tpu.enqueue_dma source(%dma_start3A_159 : memref<4704xf32, #tpu.memory_space<vmem_shared>>) target(%arg10 : memref<4704xf32, #tpu.memory_space<vmem>>) target_semaphore(%run_scoped3A : memref<!tpu.dma_semaphore, #tpu.memory_space<semaphore_mem>>)
            %dma_wait3A = tpu.memref_slice %arg5[%add3A_152] : memref<1657856xf32, #tpu.memory_space<vmem_shared>> -> memref<4704xf32, #tpu.memory_space<vmem_shared>>
            %dma_wait3A_160 = tpu.memref_slice %arg5[%add3A_152] : memref<1657856xf32, #tpu.memory_space<vmem_shared>> -> memref<4704xf32, #tpu.memory_space<vmem_shared>>
            tpu.wait_dma2 semaphore(%run_scoped3A : memref<!tpu.dma_semaphore, #tpu.memory_space<semaphore_mem>>) src(%dma_wait3A_160 : memref<4704xf32, #tpu.memory_space<vmem_shared>>) dst(%arg10 : memref<4704xf32, #tpu.memory_space<vmem>>)
            tpu.yield
          }) : () -> ()
          %mul3A_153 = arith.muli %arg1, %mul3A_56 : i32
          %add3A_154 = arith.addi %add3A_54, %mul3A_153 : i32
          %mul3A_155 = arith.constant 4704 : i32
          %mul3A_156 = arith.muli %while3A_148, %mul3A_155 : i32
          %add3A_157 = arith.addi %add3A_154, %mul3A_156 : i32
          "tpu.region"() ({
            %run_scoped3A = tpu.sem_alloc : memref<!tpu.dma_semaphore, #tpu.memory_space<semaphore_mem>>
            %dma_start3A_158 = tpu.memref_slice %arg4[%add3A_157] : memref<38535168xf32, #tpu.memory_space<hbm>> -> memref<4704xf32, #tpu.memory_space<hbm>>
            %dma_start3A_159 = tpu.memref_slice %arg4[%add3A_157] : memref<38535168xf32, #tpu.memory_space<hbm>> -> memref<4704xf32, #tpu.memory_space<hbm>>
            tpu.enqueue_dma source(%arg10 : memref<4704xf32, #tpu.memory_space<vmem>>) target(%dma_start3A_159 : memref<4704xf32, #tpu.memory_space<hbm>>) target_semaphore(%run_scoped3A : memref<!tpu.dma_semaphore, #tpu.memory_space<semaphore_mem>>)
            %dma_wait3A = tpu.memref_slice %arg4[%add3A_157] : memref<38535168xf32, #tpu.memory_space<hbm>> -> memref<4704xf32, #tpu.memory_space<hbm>>
            %dma_wait3A_160 = tpu.memref_slice %arg4[%add3A_157] : memref<38535168xf32, #tpu.memory_space<hbm>> -> memref<4704xf32, #tpu.memory_space<hbm>>
            tpu.wait_dma2 semaphore(%run_scoped3A : memref<!tpu.dma_semaphore, #tpu.memory_space<semaphore_mem>>) src(%arg10 : memref<4704xf32, #tpu.memory_space<vmem>>) dst(%dma_wait3A_160 : memref<4704xf32, #tpu.memory_space<hbm>>)
            tpu.yield
          }) : () -> ()
        }
        %barrier3A_141 = arith.constant 0 : index
        tpu.barrier barrier_id(%barrier3A_141)
        %scan3A_142 = arith.constant 0 : i32
        %scan3A_143 = arith.constant 0 : i32
        %scan3A_144 = arith.constant 294 : i32
        %scan3A_145 = arith.addi %scan3A_143, %scan3A_144 : i32
        %scan3A_146 = arith.constant 1 : i32
        scf.for %scan3A_148 = %scan3A_143 to %scan3A_145 step %scan3A_146  : i32 {
          %mul3A_149 = arith.constant 16 : i32
          %mul3A_150 = arith.muli %scan3A_148, %mul3A_149 : i32
          %swap3A = arith.index_cast %mul3A_150 : i32 to index
          %swap3A_151 = tpu.vector_load %arg10[%swap3A] {strides = array<i32>} : memref<4704xf32, #tpu.memory_space<vmem>>, vector<16xf32>,
          %swap3A_152 = vector.shape_cast %swap3A_151 : vector<16xf32> to vector<16xf32>
          %swap3A_153 = vector.shape_cast %broadcast_in_dim3A_0 : vector<16xf32> to vector<16xf32>
          tpu.vector_store %arg10[%swap3A], %swap3A_153 {strides = array<i32>} : memref<4704xf32, #tpu.memory_space<vmem>>, vector<16xf32>,
        }
        %scan3A_147 = arith.constant 294 : i32
      }
      %while3A_35 = arith.constant 1 : i32
      scf.for %while3A_36 = %while3A_33 to %while3A_29 step %while3A_35  : i32 {
        %eq3A_37 = arith.constant 0 : i32
        %eq3A_38 = arith.cmpi eq, %while3A_36, %eq3A_37 : i32
        %jit3A_39 = arith.constant 1655808 : i32
        %jit3A_40 = arith.constant 3311616 : i32
        %select_n3A_41 = arith.select %eq3A_38, %jit3A_39, %jit3A_40 : i32
        %jit3A_42 = arith.constant 0 : i32
        %select_n3A_43 = arith.select %eq3A_23, %jit3A_42, %select_n3A_41 : i32
        %eq3A_44 = arith.constant 0 : i32
        %eq3A_45 = arith.cmpi eq, %while3A_36, %eq3A_44 : i32
        %jit3A_46 = arith.constant 11 : i32
        %jit3A_47 = arith.constant 10 : i32
        %select_n3A_48 = arith.select %eq3A_45, %jit3A_46, %jit3A_47 : i32
        %jit3A_49 = arith.constant 11 : i32
        %select_n3A_50 = arith.select %eq3A_23, %jit3A_49, %select_n3A_48 : i32
        %mul3A = arith.constant 150528 : i32
        %mul3A_51 = arith.muli %select_n3A_50, %mul3A : i32
        %mul3A_52 = arith.constant 4816896 : i32
        %mul3A_53 = arith.muli %scan3A_12, %mul3A_52 : i32
        %add3A_54 = arith.addi %mul3A_53, %select_n3A_43 : i32
        %mul3A_55 = arith.constant 9408 : i32
        %mul3A_56 = arith.muli %select_n3A_50, %mul3A_55 : i32
        %jit3A_57 = arith.constant 4704 : i32
        %div3A = arith.divsi %mul3A_56, %jit3A_57 : i32
        %sign3A = arith.constant 0 : i32
        %sign3A_58 = arith.cmpi sgt, %mul3A_56, %sign3A : i32
        %sign3A_59 = arith.extui %sign3A_58 : i1 to i32
        %sign3A_60 = arith.constant 0 : i32
        %sign3A_61 = arith.cmpi slt, %mul3A_56, %sign3A_60 : i32
        %sign3A_62 = arith.extui %sign3A_61 : i1 to i32
        %sign3A_63 = arith.subi %sign3A_59, %sign3A_62 : i32
        %sign3A_64 = arith.constant 0 : i32
        %sign3A_65 = arith.cmpi sgt, %jit3A_57, %sign3A_64 : i32
        %sign3A_66 = arith.extui %sign3A_65 : i1 to i32
        %sign3A_67 = arith.constant 0 : i32
        %sign3A_68 = arith.cmpi slt, %jit3A_57, %sign3A_67 : i32
        %sign3A_69 = arith.extui %sign3A_68 : i1 to i32
        %sign3A_70 = arith.subi %sign3A_66, %sign3A_69 : i32
        %ne3A_71 = arith.cmpi ne, %sign3A_63, %sign3A_70 : i32
        %rem3A_72 = arith.remsi %mul3A_56, %jit3A_57 : i32
        %ne3A_73 = arith.constant 0 : i32
        %ne3A_74 = arith.cmpi ne, %rem3A_72, %ne3A_73 : i32
        %and3A_75 = arith.andi %ne3A_71, %ne3A_74 : i1
        %sub3A = arith.constant 1 : i32
        %sub3A_76 = arith.subi %div3A, %sub3A : i32
        %select_n3A_77 = arith.select %and3A_75, %sub3A_76, %div3A : i32
        %while3A_78 = arith.constant 0 : i32
        %while3A_79 = arith.constant 0 : i32
        %while3A_80 = arith.subi %select_n3A_77, %while3A_79 : i32
        %while3A_81 = arith.addi %while3A_79, %while3A_80 : i32
        %while3A_82 = arith.constant 1 : i32
        %while3A_83 = arith.divsi %while3A_80, %while3A_82 : i32
        %while3A_84 = arith.muli %while3A_83, %while3A_82 : i32
        %while3A_85 = arith.addi %while3A_79, %while3A_84 : i32
        %while3A_86 = arith.constant 1 : i32
        scf.for %while3A_148 = %while3A_79 to %while3A_85 step %while3A_86  : i32 {
          %mul3A_149 = arith.muli %arg1, %mul3A_56 : i32
          %mul3A_150 = arith.constant 4704 : i32
          %mul3A_151 = arith.muli %while3A_148, %mul3A_150 : i32
          %add3A_152 = arith.addi %mul3A_149, %mul3A_151 : i32
          "tpu.region"() ({
            %run_scoped3A = tpu.sem_alloc : memref<!tpu.dma_semaphore, #tpu.memory_space<semaphore_mem>>
            %dma_start3A_153 = tpu.memref_slice %arg5[%add3A_152] : memref<1657856xf32, #tpu.memory_space<vmem_shared>> -> memref<4704xf32, #tpu.memory_space<vmem_shared>>
            %dma_start3A_154 = tpu.memref_slice %arg5[%add3A_152] : memref<1657856xf32, #tpu.memory_space<vmem_shared>> -> memref<4704xf32, #tpu.memory_space<vmem_shared>>
            tpu.enqueue_dma source(%arg10 : memref<4704xf32, #tpu.memory_space<vmem>>) target(%dma_start3A_154 : memref<4704xf32, #tpu.memory_space<vmem_shared>>) target_semaphore(%run_scoped3A : memref<!tpu.dma_semaphore, #tpu.memory_space<semaphore_mem>>)
            %dma_wait3A = tpu.memref_slice %arg5[%add3A_152] : memref<1657856xf32, #tpu.memory_space<vmem_shared>> -> memref<4704xf32, #tpu.memory_space<vmem_shared>>
            %dma_wait3A_155 = tpu.memref_slice %arg5[%add3A_152] : memref<1657856xf32, #tpu.memory_space<vmem_shared>> -> memref<4704xf32, #tpu.memory_space<vmem_shared>>
            tpu.wait_dma2 semaphore(%run_scoped3A : memref<!tpu.dma_semaphore, #tpu.memory_space<semaphore_mem>>) src(%arg10 : memref<4704xf32, #tpu.memory_space<vmem>>) dst(%dma_wait3A_155 : memref<4704xf32, #tpu.memory_space<vmem_shared>>)
            tpu.yield
          }) : () -> ()
        }
        %while3A_87 = arith.constant 1 : i32
        scf.for %while3A_148 = %while3A_85 to %while3A_81 step %while3A_87  : i32 {
          %mul3A_149 = arith.muli %arg1, %mul3A_56 : i32
          %mul3A_150 = arith.constant 4704 : i32
          %mul3A_151 = arith.muli %while3A_148, %mul3A_150 : i32
          %add3A_152 = arith.addi %mul3A_149, %mul3A_151 : i32
          "tpu.region"() ({
            %run_scoped3A = tpu.sem_alloc : memref<!tpu.dma_semaphore, #tpu.memory_space<semaphore_mem>>
            %dma_start3A_153 = tpu.memref_slice %arg5[%add3A_152] : memref<1657856xf32, #tpu.memory_space<vmem_shared>> -> memref<4704xf32, #tpu.memory_space<vmem_shared>>
            %dma_start3A_154 = tpu.memref_slice %arg5[%add3A_152] : memref<1657856xf32, #tpu.memory_space<vmem_shared>> -> memref<4704xf32, #tpu.memory_space<vmem_shared>>
            tpu.enqueue_dma source(%arg10 : memref<4704xf32, #tpu.memory_space<vmem>>) target(%dma_start3A_154 : memref<4704xf32, #tpu.memory_space<vmem_shared>>) target_semaphore(%run_scoped3A : memref<!tpu.dma_semaphore, #tpu.memory_space<semaphore_mem>>)
            %dma_wait3A = tpu.memref_slice %arg5[%add3A_152] : memref<1657856xf32, #tpu.memory_space<vmem_shared>> -> memref<4704xf32, #tpu.memory_space<vmem_shared>>
            %dma_wait3A_155 = tpu.memref_slice %arg5[%add3A_152] : memref<1657856xf32, #tpu.memory_space<vmem_shared>> -> memref<4704xf32, #tpu.memory_space<vmem_shared>>
            tpu.wait_dma2 semaphore(%run_scoped3A : memref<!tpu.dma_semaphore, #tpu.memory_space<semaphore_mem>>) src(%arg10 : memref<4704xf32, #tpu.memory_space<vmem>>) dst(%dma_wait3A_155 : memref<4704xf32, #tpu.memory_space<vmem_shared>>)
            tpu.yield
          }) : () -> ()
        }
        %barrier3A = arith.constant 0 : index
        tpu.barrier barrier_id(%barrier3A)
        %mul3A_88 = arith.constant 1204224 : i32
        %mul3A_89 = arith.muli %scan3A_12, %mul3A_88 : i32
        %mul3A_90 = arith.constant 75264 : i32
        %mul3A_91 = arith.muli %arg1, %mul3A_90 : i32
        %add3A_92 = arith.addi %mul3A_89, %mul3A_91 : i32
        %add3A_93 = arith.constant 0 : i32
        %add3A_94 = arith.addi %add3A_92, %add3A_93 : i32
        %dma_start3A = tpu.memref_slice %arg3[%add3A_94] : memref<9633792xi32, #tpu.memory_space<hbm>> -> memref<4704xi32, #tpu.memory_space<hbm>>
        %dma_start3A_95 = tpu.memref_slice %arg3[%add3A_94] : memref<9633792xi32, #tpu.memory_space<hbm>> -> memref<4704xi32, #tpu.memory_space<hbm>>
        tpu.enqueue_dma source(%dma_start3A_95 : memref<4704xi32, #tpu.memory_space<hbm>>) target(%arg6 : memref<4704xi32, #tpu.memory_space<vmem>>) target_semaphore(%arg11 : memref<!tpu.dma_semaphore, #tpu.memory_space<semaphore_mem>>)
        %add3A_96 = arith.constant 0 : i32
        %add3A_97 = arith.addi %add3A_92, %add3A_96 : i32
        %dma_start3A_98 = tpu.memref_slice %arg2[%add3A_97] : memref<9633792xf32, #tpu.memory_space<hbm>> -> memref<4704xf32, #tpu.memory_space<hbm>>
        %dma_start3A_99 = tpu.memref_slice %arg2[%add3A_97] : memref<9633792xf32, #tpu.memory_space<hbm>> -> memref<4704xf32, #tpu.memory_space<hbm>>
        tpu.enqueue_dma source(%dma_start3A_99 : memref<4704xf32, #tpu.memory_space<hbm>>) target(%arg7 : memref<4704xf32, #tpu.memory_space<vmem>>) target_semaphore(%arg11 : memref<!tpu.dma_semaphore, #tpu.memory_space<semaphore_mem>>)
        %scan3A_100 = arith.constant 0 : i32
        %scan3A_101 = arith.constant 0 : i32
        %scan3A_102 = arith.constant 8 : i32
        %scan3A_103 = arith.addi %scan3A_101, %scan3A_102 : i32
        %scan3A_104 = arith.constant 1 : i32
        scf.for %scan3A_148 = %scan3A_101 to %scan3A_103 step %scan3A_104  : i32 {
          %mul3A_149 = arith.constant 2 : i32
          %mul3A_150 = arith.muli %scan3A_148, %mul3A_149 : i32
          %dma_wait3A = arith.constant 0 : i32
          %dma_wait3A_151 = tpu.memref_slice %arg3[%dma_wait3A] : memref<9633792xi32, #tpu.memory_space<hbm>> -> memref<4704xi32, #tpu.memory_space<hbm>>
          %dma_wait3A_152 = arith.constant 0 : i32
          %dma_wait3A_153 = tpu.memref_slice %arg3[%dma_wait3A_152] : memref<9633792xi32, #tpu.memory_space<hbm>> -> memref<4704xi32, #tpu.memory_space<hbm>>
          tpu.wait_dma2 semaphore(%arg11 : memref<!tpu.dma_semaphore, #tpu.memory_space<semaphore_mem>>) src(%dma_wait3A_153 : memref<4704xi32, #tpu.memory_space<hbm>>) dst(%arg6 : memref<4704xi32, #tpu.memory_space<vmem>>)
          %dma_wait3A_154 = arith.constant 0 : i32
          %dma_wait3A_155 = tpu.memref_slice %arg2[%dma_wait3A_154] : memref<9633792xf32, #tpu.memory_space<hbm>> -> memref<4704xf32, #tpu.memory_space<hbm>>
          %dma_wait3A_156 = arith.constant 0 : i32
          %dma_wait3A_157 = tpu.memref_slice %arg2[%dma_wait3A_156] : memref<9633792xf32, #tpu.memory_space<hbm>> -> memref<4704xf32, #tpu.memory_space<hbm>>
          tpu.wait_dma2 semaphore(%arg11 : memref<!tpu.dma_semaphore, #tpu.memory_space<semaphore_mem>>) src(%dma_wait3A_157 : memref<4704xf32, #tpu.memory_space<hbm>>) dst(%arg7 : memref<4704xf32, #tpu.memory_space<vmem>>)
          %add3A_158 = arith.constant 1 : i32
          %add3A_159 = arith.addi %mul3A_150, %add3A_158 : i32
          %mul3A_160 = arith.constant 4704 : i32
          %mul3A_161 = arith.muli %add3A_159, %mul3A_160 : i32
          %add3A_162 = arith.addi %add3A_92, %mul3A_161 : i32
          %dma_start3A_163 = tpu.memref_slice %arg3[%add3A_162] : memref<9633792xi32, #tpu.memory_space<hbm>> -> memref<4704xi32, #tpu.memory_space<hbm>>
          %dma_start3A_164 = tpu.memref_slice %arg3[%add3A_162] : memref<9633792xi32, #tpu.memory_space<hbm>> -> memref<4704xi32, #tpu.memory_space<hbm>>
          tpu.enqueue_dma source(%dma_start3A_164 : memref<4704xi32, #tpu.memory_space<hbm>>) target(%arg8 : memref<4704xi32, #tpu.memory_space<vmem>>) target_semaphore(%arg12 : memref<!tpu.dma_semaphore, #tpu.memory_space<semaphore_mem>>)
          %mul3A_165 = arith.constant 4704 : i32
          %mul3A_166 = arith.muli %add3A_159, %mul3A_165 : i32
          %add3A_167 = arith.addi %add3A_92, %mul3A_166 : i32
          %dma_start3A_168 = tpu.memref_slice %arg2[%add3A_167] : memref<9633792xf32, #tpu.memory_space<hbm>> -> memref<4704xf32, #tpu.memory_space<hbm>>
          %dma_start3A_169 = tpu.memref_slice %arg2[%add3A_167] : memref<9633792xf32, #tpu.memory_space<hbm>> -> memref<4704xf32, #tpu.memory_space<hbm>>
          tpu.enqueue_dma source(%dma_start3A_169 : memref<4704xf32, #tpu.memory_space<hbm>>) target(%arg9 : memref<4704xf32, #tpu.memory_space<vmem>>) target_semaphore(%arg12 : memref<!tpu.dma_semaphore, #tpu.memory_space<semaphore_mem>>)
          %parallel_loop3A = arith.constant 0 : i32
          %parallel_loop3A_170 = arith.constant 294 : i32
          %parallel_loop3A_171 = arith.constant 1 : i32
          scf.for %parallel_loop3A_192 = %parallel_loop3A to %parallel_loop3A_170 step %parallel_loop3A_171  : i32 {
            %parallel_loop3A_193 = arith.constant 16 : i32
            %parallel_loop3A_194 = arith.muli %parallel_loop3A_192, %parallel_loop3A_193 : i32
            %parallel_loop3A_195 = arith.index_cast %parallel_loop3A_194 : i32 to index
            %parallel_loop3A_196 = tpu.vector_load %arg6[%parallel_loop3A_195] {strides = array<i32>} : memref<4704xi32, #tpu.memory_space<vmem>>, vector<16xi32>,
            %parallel_loop3A_197 = vector.shape_cast %parallel_loop3A_196 : vector<16xi32> to vector<16xi32>
            %parallel_loop3A_198 = vector.broadcast %select_n3A_43 : i32 to vector<16xi32>
            %parallel_loop3A_199 = arith.subi %parallel_loop3A_197, %parallel_loop3A_198 : vector<16xi32>
            %parallel_loop3A_200 = vector.broadcast %mul3A_51 : i32 to vector<16xi32>
            %parallel_loop3A_201 = arith.cmpi ult, %parallel_loop3A_199, %parallel_loop3A_200 : vector<16xi32>
            %parallel_loop3A_202 = arith.constant 16 : i32
            %parallel_loop3A_203 = arith.muli %parallel_loop3A_192, %parallel_loop3A_202 : i32
            %parallel_loop3A_204 = arith.constant 2048 : i32
            %parallel_loop3A_205 = arith.constant 0 : i32
            %parallel_loop3A_206 = arith.cmpi eq, %parallel_loop3A_204, %parallel_loop3A_205 : i32
            %parallel_loop3A_207 = arith.constant 1 : i32
            %parallel_loop3A_208 = arith.select %parallel_loop3A_206, %parallel_loop3A_207, %parallel_loop3A_204 : i32
            %parallel_loop3A_209 = arith.remsi %parallel_loop3A_203, %parallel_loop3A_208 : i32
            %parallel_loop3A_210 = arith.constant 0 : i32
            %parallel_loop3A_211 = arith.cmpi ne, %parallel_loop3A_209, %parallel_loop3A_210 : i32
            %parallel_loop3A_212 = arith.constant 0 : i32
            %parallel_loop3A_213 = arith.cmpi slt, %parallel_loop3A_209, %parallel_loop3A_212 : i32
            %parallel_loop3A_214 = arith.constant 0 : i32
            %parallel_loop3A_215 = arith.cmpi slt, %parallel_loop3A_208, %parallel_loop3A_214 : i32
            %parallel_loop3A_216 = arith.xori %parallel_loop3A_213, %parallel_loop3A_215 : i1
            %parallel_loop3A_217 = arith.andi %parallel_loop3A_216, %parallel_loop3A_211 : i1
            %parallel_loop3A_218 = arith.addi %parallel_loop3A_209, %parallel_loop3A_208 : i32
            %parallel_loop3A_219 = arith.select %parallel_loop3A_217, %parallel_loop3A_218, %parallel_loop3A_209 : i32
            %parallel_loop3A_220 = arith.addi %mul3A_51, %parallel_loop3A_219 : i32
            %parallel_loop3A_221 = vector.broadcast %parallel_loop3A_220 : i32 to vector<16xi32>
            %parallel_loop3A_222 = arith.addi %parallel_loop3A_221, %iota3A : vector<16xi32>
            %parallel_loop3A_223 = arith.select %parallel_loop3A_201, %parallel_loop3A_199, %parallel_loop3A_222 : vector<16xi1>, vector<16xi32>
            %parallel_loop3A_224 = arith.constant 16 : i32
            %parallel_loop3A_225 = arith.muli %parallel_loop3A_192, %parallel_loop3A_224 : i32
            %parallel_loop3A_226 = arith.index_cast %parallel_loop3A_225 : i32 to index
            %parallel_loop3A_227 = tpu.vector_load %arg6[%parallel_loop3A_226] {strides = array<i32>} : memref<4704xi32, #tpu.memory_space<vmem>>, vector<16xi32>,
            %parallel_loop3A_228 = vector.shape_cast %parallel_loop3A_227 : vector<16xi32> to vector<16xi32>
            %parallel_loop3A_229 = vector.shape_cast %parallel_loop3A_223 : vector<16xi32> to vector<16xi32>
            tpu.vector_store %arg6[%parallel_loop3A_226], %parallel_loop3A_229 {strides = array<i32>} : memref<4704xi32, #tpu.memory_space<vmem>>, vector<16xi32>,
          } {sc.loop_unroll_factor = 4 : i64, sc.parallel_access}
          %dma_start3A_172 = arith.constant 0 : i32
          %dma_start3A_173 = tpu.memref_slice %arg5[%dma_start3A_172] : memref<1657856xf32, #tpu.memory_space<vmem_shared>> -> memref<1657856xf32, #tpu.memory_space<vmem_shared>>
          tpu.enqueue_indirect_dma source(%arg7 : memref<4704xf32, #tpu.memory_space<vmem>>) target(%dma_start3A_173 : memref<1657856xf32, #tpu.memory_space<vmem_shared>>) offsets(%arg6 : memref<4704xi32, #tpu.memory_space<vmem>>) semaphore(%arg11 : memref<!tpu.dma_semaphore, #tpu.memory_space<semaphore_mem>>) {add = true}
          %dma_wait3A_174 = arith.constant 0 : i32
          %dma_wait3A_175 = tpu.memref_slice %arg3[%dma_wait3A_174] : memref<9633792xi32, #tpu.memory_space<hbm>> -> memref<4704xi32, #tpu.memory_space<hbm>>
          %dma_wait3A_176 = arith.constant 0 : i32
          %dma_wait3A_177 = tpu.memref_slice %arg3[%dma_wait3A_176] : memref<9633792xi32, #tpu.memory_space<hbm>> -> memref<4704xi32, #tpu.memory_space<hbm>>
          tpu.wait_dma2 semaphore(%arg12 : memref<!tpu.dma_semaphore, #tpu.memory_space<semaphore_mem>>) src(%dma_wait3A_177 : memref<4704xi32, #tpu.memory_space<hbm>>) dst(%arg8 : memref<4704xi32, #tpu.memory_space<vmem>>)
          %dma_wait3A_178 = arith.constant 0 : i32
          %dma_wait3A_179 = tpu.memref_slice %arg2[%dma_wait3A_178] : memref<9633792xf32, #tpu.memory_space<hbm>> -> memref<4704xf32, #tpu.memory_space<hbm>>
          %dma_wait3A_180 = arith.constant 0 : i32
          %dma_wait3A_181 = tpu.memref_slice %arg2[%dma_wait3A_180] : memref<9633792xf32, #tpu.memory_space<hbm>> -> memref<4704xf32, #tpu.memory_space<hbm>>
          tpu.wait_dma2 semaphore(%arg12 : memref<!tpu.dma_semaphore, #tpu.memory_space<semaphore_mem>>) src(%dma_wait3A_181 : memref<4704xf32, #tpu.memory_space<hbm>>) dst(%arg9 : memref<4704xf32, #tpu.memory_space<vmem>>)
          %parallel_loop3A_182 = arith.constant 0 : i32
          %parallel_loop3A_183 = arith.constant 294 : i32
          %parallel_loop3A_184 = arith.constant 1 : i32
          scf.for %parallel_loop3A_192 = %parallel_loop3A_182 to %parallel_loop3A_183 step %parallel_loop3A_184  : i32 {
            %parallel_loop3A_193 = arith.constant 16 : i32
            %parallel_loop3A_194 = arith.muli %parallel_loop3A_192, %parallel_loop3A_193 : i32
            %parallel_loop3A_195 = arith.index_cast %parallel_loop3A_194 : i32 to index
            %parallel_loop3A_196 = tpu.vector_load %arg8[%parallel_loop3A_195] {strides = array<i32>} : memref<4704xi32, #tpu.memory_space<vmem>>, vector<16xi32>,
            %parallel_loop3A_197 = vector.shape_cast %parallel_loop3A_196 : vector<16xi32> to vector<16xi32>
            %parallel_loop3A_198 = vector.broadcast %select_n3A_43 : i32 to vector<16xi32>
            %parallel_loop3A_199 = arith.subi %parallel_loop3A_197, %parallel_loop3A_198 : vector<16xi32>
            %parallel_loop3A_200 = vector.broadcast %mul3A_51 : i32 to vector<16xi32>
            %parallel_loop3A_201 = arith.cmpi ult, %parallel_loop3A_199, %parallel_loop3A_200 : vector<16xi32>
            %parallel_loop3A_202 = arith.constant 16 : i32
            %parallel_loop3A_203 = arith.muli %parallel_loop3A_192, %parallel_loop3A_202 : i32
            %parallel_loop3A_204 = arith.constant 2048 : i32
            %parallel_loop3A_205 = arith.constant 0 : i32
            %parallel_loop3A_206 = arith.cmpi eq, %parallel_loop3A_204, %parallel_loop3A_205 : i32
            %parallel_loop3A_207 = arith.constant 1 : i32
            %parallel_loop3A_208 = arith.select %parallel_loop3A_206, %parallel_loop3A_207, %parallel_loop3A_204 : i32
            %parallel_loop3A_209 = arith.remsi %parallel_loop3A_203, %parallel_loop3A_208 : i32
            %parallel_loop3A_210 = arith.constant 0 : i32
            %parallel_loop3A_211 = arith.cmpi ne, %parallel_loop3A_209, %parallel_loop3A_210 : i32
            %parallel_loop3A_212 = arith.constant 0 : i32
            %parallel_loop3A_213 = arith.cmpi slt, %parallel_loop3A_209, %parallel_loop3A_212 : i32
            %parallel_loop3A_214 = arith.constant 0 : i32
            %parallel_loop3A_215 = arith.cmpi slt, %parallel_loop3A_208, %parallel_loop3A_214 : i32
            %parallel_loop3A_216 = arith.xori %parallel_loop3A_213, %parallel_loop3A_215 : i1
            %parallel_loop3A_217 = arith.andi %parallel_loop3A_216, %parallel_loop3A_211 : i1
            %parallel_loop3A_218 = arith.addi %parallel_loop3A_209, %parallel_loop3A_208 : i32
            %parallel_loop3A_219 = arith.select %parallel_loop3A_217, %parallel_loop3A_218, %parallel_loop3A_209 : i32
            %parallel_loop3A_220 = arith.addi %mul3A_51, %parallel_loop3A_219 : i32
            %parallel_loop3A_221 = vector.broadcast %parallel_loop3A_220 : i32 to vector<16xi32>
            %parallel_loop3A_222 = arith.addi %parallel_loop3A_221, %iota3A : vector<16xi32>
            %parallel_loop3A_223 = arith.select %parallel_loop3A_201, %parallel_loop3A_199, %parallel_loop3A_222 : vector<16xi1>, vector<16xi32>
            %parallel_loop3A_224 = arith.constant 16 : i32
            %parallel_loop3A_225 = arith.muli %parallel_loop3A_192, %parallel_loop3A_224 : i32
            %parallel_loop3A_226 = arith.index_cast %parallel_loop3A_225 : i32 to index
            %parallel_loop3A_227 = tpu.vector_load %arg8[%parallel_loop3A_226] {strides = array<i32>} : memref<4704xi32, #tpu.memory_space<vmem>>, vector<16xi32>,
            %parallel_loop3A_228 = vector.shape_cast %parallel_loop3A_227 : vector<16xi32> to vector<16xi32>
            %parallel_loop3A_229 = vector.shape_cast %parallel_loop3A_223 : vector<16xi32> to vector<16xi32>
            tpu.vector_store %arg8[%parallel_loop3A_226], %parallel_loop3A_229 {strides = array<i32>} : memref<4704xi32, #tpu.memory_space<vmem>>, vector<16xi32>,
          } {sc.loop_unroll_factor = 4 : i64, sc.parallel_access}
          %dma_wait3A_185 = arith.constant 0 : i32
          %dma_wait3A_186 = tpu.memref_slice %arg5[%dma_wait3A_185] : memref<1657856xf32, #tpu.memory_space<vmem_shared>> -> memref<1657856xf32, #tpu.memory_space<vmem_shared>>
          tpu.wait_indirect_dma semaphore(%arg11 : memref<!tpu.dma_semaphore, #tpu.memory_space<semaphore_mem>>) src(%arg7 : memref<4704xf32, #tpu.memory_space<vmem>>) dst(%dma_wait3A_186 : memref<1657856xf32, #tpu.memory_space<vmem_shared>>)
          %add3A_187 = arith.constant 1 : i32
          %add3A_188 = arith.addi %scan3A_148, %add3A_187 : i32
          %lt3A_189 = arith.constant 8 : i32
          %lt3A_190 = arith.cmpi slt, %add3A_188, %lt3A_189 : i32
          %convert_element_type3A = arith.extui %lt3A_190 : i1 to i32
          %cond3A = arith.constant 0 : i32
          %cond3A_191 = arith.cmpi ne, %convert_element_type3A, %cond3A : i32
          scf.if %cond3A_191 {
            %add3A_192 = arith.constant 2 : i32
            %add3A_193 = arith.addi %mul3A_150, %add3A_192 : i32
            %mul3A_194 = arith.constant 4704 : i32
            %mul3A_195 = arith.muli %add3A_193, %mul3A_194 : i32
            %add3A_196 = arith.addi %add3A_92, %mul3A_195 : i32
            %dma_start3A_197 = tpu.memref_slice %arg3[%add3A_196] : memref<9633792xi32, #tpu.memory_space<hbm>> -> memref<4704xi32, #tpu.memory_space<hbm>>
            %dma_start3A_198 = tpu.memref_slice %arg3[%add3A_196] : memref<9633792xi32, #tpu.memory_space<hbm>> -> memref<4704xi32, #tpu.memory_space<hbm>>
            tpu.enqueue_dma source(%dma_start3A_198 : memref<4704xi32, #tpu.memory_space<hbm>>) target(%arg6 : memref<4704xi32, #tpu.memory_space<vmem>>) target_semaphore(%arg11 : memref<!tpu.dma_semaphore, #tpu.memory_space<semaphore_mem>>)
            %mul3A_199 = arith.constant 4704 : i32
            %mul3A_200 = arith.muli %add3A_193, %mul3A_199 : i32
            %add3A_201 = arith.addi %add3A_92, %mul3A_200 : i32
            %dma_start3A_202 = tpu.memref_slice %arg2[%add3A_201] : memref<9633792xf32, #tpu.memory_space<hbm>> -> memref<4704xf32, #tpu.memory_space<hbm>>
            %dma_start3A_203 = tpu.memref_slice %arg2[%add3A_201] : memref<9633792xf32, #tpu.memory_space<hbm>> -> memref<4704xf32, #tpu.memory_space<hbm>>
            tpu.enqueue_dma source(%dma_start3A_203 : memref<4704xf32, #tpu.memory_space<hbm>>) target(%arg7 : memref<4704xf32, #tpu.memory_space<vmem>>) target_semaphore(%arg11 : memref<!tpu.dma_semaphore, #tpu.memory_space<semaphore_mem>>)
          } else {
          }
          "tpu.region"() ({
            %run_scoped3A = tpu.sem_alloc : memref<!tpu.dma_semaphore, #tpu.memory_space<semaphore_mem>>
            %dma_start3A_192 = arith.constant 0 : i32
            %dma_start3A_193 = tpu.memref_slice %arg5[%dma_start3A_192] : memref<1657856xf32, #tpu.memory_space<vmem_shared>> -> memref<1657856xf32, #tpu.memory_space<vmem_shared>>
            tpu.enqueue_indirect_dma source(%arg9 : memref<4704xf32, #tpu.memory_space<vmem>>) target(%dma_start3A_193 : memref<1657856xf32, #tpu.memory_space<vmem_shared>>) offsets(%arg8 : memref<4704xi32, #tpu.memory_space<vmem>>) semaphore(%run_scoped3A : memref<!tpu.dma_semaphore, #tpu.memory_space<semaphore_mem>>) {add = true}
            %dma_wait3A_194 = arith.constant 0 : i32
            %dma_wait3A_195 = tpu.memref_slice %arg5[%dma_wait3A_194] : memref<1657856xf32, #tpu.memory_space<vmem_shared>> -> memref<1657856xf32, #tpu.memory_space<vmem_shared>>
            tpu.wait_indirect_dma semaphore(%run_scoped3A : memref<!tpu.dma_semaphore, #tpu.memory_space<semaphore_mem>>) src(%arg9 : memref<4704xf32, #tpu.memory_space<vmem>>) dst(%dma_wait3A_195 : memref<1657856xf32, #tpu.memory_space<vmem_shared>>)
            tpu.yield
          }) : () -> ()
        }
        %scan3A_105 = arith.constant 8 : i32
        %barrier3A_106 = arith.constant 0 : index
        tpu.barrier barrier_id(%barrier3A_106)
        %jit3A_107 = arith.constant 4704 : i32
        %div3A_108 = arith.divsi %mul3A_56, %jit3A_107 : i32
        %sign3A_109 = arith.constant 0 : i32
        %sign3A_110 = arith.cmpi sgt, %mul3A_56, %sign3A_109 : i32
        %sign3A_111 = arith.extui %sign3A_110 : i1 to i32
        %sign3A_112 = arith.constant 0 : i32
        %sign3A_113 = arith.cmpi slt, %mul3A_56, %sign3A_112 : i32
        %sign3A_114 = arith.extui %sign3A_113 : i1 to i32
        %sign3A_115 = arith.subi %sign3A_111, %sign3A_114 : i32
        %sign3A_116 = arith.constant 0 : i32
        %sign3A_117 = arith.cmpi sgt, %jit3A_107, %sign3A_116 : i32
        %sign3A_118 = arith.extui %sign3A_117 : i1 to i32
        %sign3A_119 = arith.constant 0 : i32
        %sign3A_120 = arith.cmpi slt, %jit3A_107, %sign3A_119 : i32
        %sign3A_121 = arith.extui %sign3A_120 : i1 to i32
        %sign3A_122 = arith.subi %sign3A_118, %sign3A_121 : i32
        %ne3A_123 = arith.cmpi ne, %sign3A_115, %sign3A_122 : i32
        %rem3A_124 = arith.remsi %mul3A_56, %jit3A_107 : i32
        %ne3A_125 = arith.constant 0 : i32
        %ne3A_126 = arith.cmpi ne, %rem3A_124, %ne3A_125 : i32
        %and3A_127 = arith.andi %ne3A_123, %ne3A_126 : i1
        %sub3A_128 = arith.constant 1 : i32
        %sub3A_129 = arith.subi %div3A_108, %sub3A_128 : i32
        %select_n3A_130 = arith.select %and3A_127, %sub3A_129, %div3A_108 : i32
        %while3A_131 = arith.constant 0 : i32
        %while3A_132 = arith.constant 0 : i32
        %while3A_133 = arith.subi %select_n3A_130, %while3A_132 : i32
        %while3A_134 = arith.addi %while3A_132, %while3A_133 : i32
        %while3A_135 = arith.constant 1 : i32
        %while3A_136 = arith.divsi %while3A_133, %while3A_135 : i32
        %while3A_137 = arith.muli %while3A_136, %while3A_135 : i32
        %while3A_138 = arith.addi %while3A_132, %while3A_137 : i32
        %while3A_139 = arith.constant 1 : i32
        scf.for %while3A_148 = %while3A_132 to %while3A_138 step %while3A_139  : i32 {
          %mul3A_149 = arith.muli %arg1, %mul3A_56 : i32
          %mul3A_150 = arith.constant 4704 : i32
          %mul3A_151 = arith.muli %while3A_148, %mul3A_150 : i32
          %add3A_152 = arith.addi %mul3A_149, %mul3A_151 : i32
          "tpu.region"() ({
            %run_scoped3A = tpu.sem_alloc : memref<!tpu.dma_semaphore, #tpu.memory_space<semaphore_mem>>
            %dma_start3A_158 = tpu.memref_slice %arg5[%add3A_152] : memref<1657856xf32, #tpu.memory_space<vmem_shared>> -> memref<4704xf32, #tpu.memory_space<vmem_shared>>
            %dma_start3A_159 = tpu.memref_slice %arg5[%add3A_152] : memref<1657856xf32, #tpu.memory_space<vmem_shared>> -> memref<4704xf32, #tpu.memory_space<vmem_shared>>
            tpu.enqueue_dma source(%dma_start3A_159 : memref<4704xf32, #tpu.memory_space<vmem_shared>>) target(%arg10 : memref<4704xf32, #tpu.memory_space<vmem>>) target_semaphore(%run_scoped3A : memref<!tpu.dma_semaphore, #tpu.memory_space<semaphore_mem>>)
            %dma_wait3A = tpu.memref_slice %arg5[%add3A_152] : memref<1657856xf32, #tpu.memory_space<vmem_shared>> -> memref<4704xf32, #tpu.memory_space<vmem_shared>>
            %dma_wait3A_160 = tpu.memref_slice %arg5[%add3A_152] : memref<1657856xf32, #tpu.memory_space<vmem_shared>> -> memref<4704xf32, #tpu.memory_space<vmem_shared>>
            tpu.wait_dma2 semaphore(%run_scoped3A : memref<!tpu.dma_semaphore, #tpu.memory_space<semaphore_mem>>) src(%dma_wait3A_160 : memref<4704xf32, #tpu.memory_space<vmem_shared>>) dst(%arg10 : memref<4704xf32, #tpu.memory_space<vmem>>)
            tpu.yield
          }) : () -> ()
          %mul3A_153 = arith.muli %arg1, %mul3A_56 : i32
          %add3A_154 = arith.addi %add3A_54, %mul3A_153 : i32
          %mul3A_155 = arith.constant 4704 : i32
          %mul3A_156 = arith.muli %while3A_148, %mul3A_155 : i32
          %add3A_157 = arith.addi %add3A_154, %mul3A_156 : i32
          "tpu.region"() ({
            %run_scoped3A = tpu.sem_alloc : memref<!tpu.dma_semaphore, #tpu.memory_space<semaphore_mem>>
            %dma_start3A_158 = tpu.memref_slice %arg4[%add3A_157] : memref<38535168xf32, #tpu.memory_space<hbm>> -> memref<4704xf32, #tpu.memory_space<hbm>>
            %dma_start3A_159 = tpu.memref_slice %arg4[%add3A_157] : memref<38535168xf32, #tpu.memory_space<hbm>> -> memref<4704xf32, #tpu.memory_space<hbm>>
            tpu.enqueue_dma source(%arg10 : memref<4704xf32, #tpu.memory_space<vmem>>) target(%dma_start3A_159 : memref<4704xf32, #tpu.memory_space<hbm>>) target_semaphore(%run_scoped3A : memref<!tpu.dma_semaphore, #tpu.memory_space<semaphore_mem>>)
            %dma_wait3A = tpu.memref_slice %arg4[%add3A_157] : memref<38535168xf32, #tpu.memory_space<hbm>> -> memref<4704xf32, #tpu.memory_space<hbm>>
            %dma_wait3A_160 = tpu.memref_slice %arg4[%add3A_157] : memref<38535168xf32, #tpu.memory_space<hbm>> -> memref<4704xf32, #tpu.memory_space<hbm>>
            tpu.wait_dma2 semaphore(%run_scoped3A : memref<!tpu.dma_semaphore, #tpu.memory_space<semaphore_mem>>) src(%arg10 : memref<4704xf32, #tpu.memory_space<vmem>>) dst(%dma_wait3A_160 : memref<4704xf32, #tpu.memory_space<hbm>>)
            tpu.yield
          }) : () -> ()
        }
        %while3A_140 = arith.constant 1 : i32
        scf.for %while3A_148 = %while3A_138 to %while3A_134 step %while3A_140  : i32 {
          %mul3A_149 = arith.muli %arg1, %mul3A_56 : i32
          %mul3A_150 = arith.constant 4704 : i32
          %mul3A_151 = arith.muli %while3A_148, %mul3A_150 : i32
          %add3A_152 = arith.addi %mul3A_149, %mul3A_151 : i32
          "tpu.region"() ({
            %run_scoped3A = tpu.sem_alloc : memref<!tpu.dma_semaphore, #tpu.memory_space<semaphore_mem>>
            %dma_start3A_158 = tpu.memref_slice %arg5[%add3A_152] : memref<1657856xf32, #tpu.memory_space<vmem_shared>> -> memref<4704xf32, #tpu.memory_space<vmem_shared>>
            %dma_start3A_159 = tpu.memref_slice %arg5[%add3A_152] : memref<1657856xf32, #tpu.memory_space<vmem_shared>> -> memref<4704xf32, #tpu.memory_space<vmem_shared>>
            tpu.enqueue_dma source(%dma_start3A_159 : memref<4704xf32, #tpu.memory_space<vmem_shared>>) target(%arg10 : memref<4704xf32, #tpu.memory_space<vmem>>) target_semaphore(%run_scoped3A : memref<!tpu.dma_semaphore, #tpu.memory_space<semaphore_mem>>)
            %dma_wait3A = tpu.memref_slice %arg5[%add3A_152] : memref<1657856xf32, #tpu.memory_space<vmem_shared>> -> memref<4704xf32, #tpu.memory_space<vmem_shared>>
            %dma_wait3A_160 = tpu.memref_slice %arg5[%add3A_152] : memref<1657856xf32, #tpu.memory_space<vmem_shared>> -> memref<4704xf32, #tpu.memory_space<vmem_shared>>
            tpu.wait_dma2 semaphore(%run_scoped3A : memref<!tpu.dma_semaphore, #tpu.memory_space<semaphore_mem>>) src(%dma_wait3A_160 : memref<4704xf32, #tpu.memory_space<vmem_shared>>) dst(%arg10 : memref<4704xf32, #tpu.memory_space<vmem>>)
            tpu.yield
          }) : () -> ()
          %mul3A_153 = arith.muli %arg1, %mul3A_56 : i32
          %add3A_154 = arith.addi %add3A_54, %mul3A_153 : i32
          %mul3A_155 = arith.constant 4704 : i32
          %mul3A_156 = arith.muli %while3A_148, %mul3A_155 : i32
          %add3A_157 = arith.addi %add3A_154, %mul3A_156 : i32
          "tpu.region"() ({
            %run_scoped3A = tpu.sem_alloc : memref<!tpu.dma_semaphore, #tpu.memory_space<semaphore_mem>>
            %dma_start3A_158 = tpu.memref_slice %arg4[%add3A_157] : memref<38535168xf32, #tpu.memory_space<hbm>> -> memref<4704xf32, #tpu.memory_space<hbm>>
            %dma_start3A_159 = tpu.memref_slice %arg4[%add3A_157] : memref<38535168xf32, #tpu.memory_space<hbm>> -> memref<4704xf32, #tpu.memory_space<hbm>>
            tpu.enqueue_dma source(%arg10 : memref<4704xf32, #tpu.memory_space<vmem>>) target(%dma_start3A_159 : memref<4704xf32, #tpu.memory_space<hbm>>) target_semaphore(%run_scoped3A : memref<!tpu.dma_semaphore, #tpu.memory_space<semaphore_mem>>)
            %dma_wait3A = tpu.memref_slice %arg4[%add3A_157] : memref<38535168xf32, #tpu.memory_space<hbm>> -> memref<4704xf32, #tpu.memory_space<hbm>>
            %dma_wait3A_160 = tpu.memref_slice %arg4[%add3A_157] : memref<38535168xf32, #tpu.memory_space<hbm>> -> memref<4704xf32, #tpu.memory_space<hbm>>
            tpu.wait_dma2 semaphore(%run_scoped3A : memref<!tpu.dma_semaphore, #tpu.memory_space<semaphore_mem>>) src(%arg10 : memref<4704xf32, #tpu.memory_space<vmem>>) dst(%dma_wait3A_160 : memref<4704xf32, #tpu.memory_space<hbm>>)
            tpu.yield
          }) : () -> ()
        }
        %barrier3A_141 = arith.constant 0 : index
        tpu.barrier barrier_id(%barrier3A_141)
        %scan3A_142 = arith.constant 0 : i32
        %scan3A_143 = arith.constant 0 : i32
        %scan3A_144 = arith.constant 294 : i32
        %scan3A_145 = arith.addi %scan3A_143, %scan3A_144 : i32
        %scan3A_146 = arith.constant 1 : i32
        scf.for %scan3A_148 = %scan3A_143 to %scan3A_145 step %scan3A_146  : i32 {
          %mul3A_149 = arith.constant 16 : i32
          %mul3A_150 = arith.muli %scan3A_148, %mul3A_149 : i32
          %swap3A = arith.index_cast %mul3A_150 : i32 to index
          %swap3A_151 = tpu.vector_load %arg10[%swap3A] {strides = array<i32>} : memref<4704xf32, #tpu.memory_space<vmem>>, vector<16xf32>,
          %swap3A_152 = vector.shape_cast %swap3A_151 : vector<16xf32> to vector<16xf32>
          %swap3A_153 = vector.shape_cast %broadcast_in_dim3A_0 : vector<16xf32> to vector<16xf32>
          tpu.vector_store %arg10[%swap3A], %swap3A_153 {strides = array<i32>} : memref<4704xf32, #tpu.memory_space<vmem>>, vector<16xf32>,
        }
        %scan3A_147 = arith.constant 294 : i32
      }
    }
    %scan3A_11 = arith.constant 8 : i32
    return
  }
}

</mosaic_0001>

<sc_bundles>
// kernel: kernel.3.cloned.1.call-start
scs
__scs_entry_jumppad:
0x0: {  	(pc) =	sbr.rel $0x88, $3  }
0x1: {  	(tag) =	ssettag $0x0;
	lr =	simm.s32 $0x1  }
0x2: {  	[smem:$0x3F9F] =	sst lr;
	_ =	strace $0xD0000000  }
0x3: {  	_ = 	snop  }
0x4: {  	_ = 	snop  }
0x5: {  	_ = 	snop  }
0x6: {  	_ = 	snop  }
0x7: {  	_ = 	snop  }
__scs_overlays_trampoline_lowered:
0x8: {  	[smem:$0x3FAE] =	sst s0  }
0x9: {  	[smem:$0x3FAF] =	sst s1  }
0xa: {  	[smem:$0x3FB0] =	sst s2  }
0xb: {  	[smem:$0x3FB1] =	sst s3  }
0xc: {  	[smem:$0x3FB2] =	sst s4  }
0xd: {  	[smem:$0x3FB3] =	sst s5  }
0xe: {  	[smem:$0x3FB4] =	sst s6  }
0xf: {  	[smem:$0x3FB5] =	sst s7  }
0x10: {  	[smem:$0x3FB6] =	sst s8  }
0x11: {  	[smem:$0x3FB7] =	sst s9;
	s0 =	simm.s32 @!p0 $0x0  }
0x12: {  	s1 =	sld [smem:$0x3F9D];
	s0 =	simm.s32 @p0 $0x1  }
0x13: {  	[smem:$0x3FB8] =	sst s0;
	s0 =	simm.s32 @!p1 $0x0  }
0x14: {  	s2 =	sld [smem:$0x3F9C];
	s0 =	simm.s32 @p1 $0x1  }
0x15: {  	[smem:$0x3FB9] =	sst s0;
	s0 =	simm.s32 @!p2 $0x0  }
0x16: {  	s3 =	sld [smem:$0x3FDB];
	s0 =	simm.s32 @p2 $0x1  }
0x17: {  	s4 =	simm.s32 $0x1BF5;
	[smem:$0x3FBB] =	sst s0  }
0x18: {  	s0 =	sld [smem:$0x3F9E];
	_ =	swait.ge [sflag:s4], $0x0  }
0x19: {  	s7 =	sld [smem:$0x3F9F]  }
0x1a: {  	s8 =	sadd.s32 $0xFFFFE003, lr  }
0x1b: {  	s9 =	sadd.s32 $0xFFFFFEF7, lr;
	s5 =	simm.s32 $0xFFFFFFFF;
	p2 =	slt.u32 s8, $0xFFFFF086  }
0x1c: {  	p1 =	slt.u32 s9, $0xF7A;
	s5 =	simm.s32 @!p2 $0x0  }
0x1d: {  	s5 =	simm.s32 @p1 $0x1;
	p0 =	seq.s32 s7, s2  }
0x1e: {  	s7 =	smul.u32 @!p0 $0xF7A, s2;
	p2 =	seq.s32 @!p0 s5, $0x0  }
0x1f: {  	s9 =	smul.u32 $0xF7A, s1;
	s8 =	simm.s32 @!p0 $0x1BF5;
	p2 =	por !p2, p0  }
0x20: {  	[sflag:s8] =	ssyncset.s32 @!p0 $0xFFFFF086;
	s6 =	sadd.s32 @!p0 s3, s7;
	s7 =	simm.s32 @!p0 $0x108  }
0x21: {  	s3 =	sadd.s32 s3, s9;
	s6 =	sadd.s32 @!p0 $0x88, s6;
	s7 =	simm.s32 @p2 $0x1082  }
0x22: {  	[simem:s7], [sflag:s8] =	dma.local @!p0 [hbm:s6], $0xF7A  }
0x23: {  	s9 =	sor.u32 $0xD0000000, s2;
	s6 =	simm.s32 $0x108;
	_ =	swait.ge @!p0 [sflag:s8], $0x0  }
0x24: {  	s3 =	sadd.s32 $0x88, s3;
	s6 =	simm.s32 @!p1 $0x1082;
	[sflag:s4] =	ssyncset.s32 $0xFFFFF086  }
0x25: {  	[simem:s6], [sflag:s4] =	dma.local [hbm:s3], $0xF7A  }
0x26: {  	[smem:$0x3F9F] =	sst s1;
	(tag) =	ssettag s2;
	_ =	strace s9  }
0x27: {  	s1 =	sld [smem:$0x3FAF]  }
0x28: {  	s2 =	sld [smem:$0x3FB0]  }
0x29: {  	s4 =	sld [smem:$0x3FB2]  }
0x2a: {  	p0 =	seq.s32 s5, $0x0;
	s5 =	sld [smem:$0x3FB3]  }
0x2b: {  	s6 =	sld [smem:$0x3FB4]  }
0x2c: {  	s7 =	sld [smem:$0x3FB5]  }
0x2d: {  	s3 =	simm.s32 $0x108;
	s8 =	sld [smem:$0x3FB6]  }
0x2e: {  	s3 =	simm.s32 @!p0 $0x1082;
	s9 =	sld [smem:$0x3FB7]  }
0x2f: {  	lr =	sadd.s32 s0, s3;
	s0 =	sld [smem:$0x3FAE]  }
0x30: {  	s3 =	sld [smem:$0x3FB1]  }
0x31: {  	[smem:$0x3FBA] =	sst s10  }
0x32: {  	s10 =	sld [smem:$0x3FB8];
	_ =	sdelay $0x3  }
0x33: {  	p0 =	seq.s32 s10, $0x1;
	s10 =	sld [smem:$0x3FBA];
	_ =	sdelay $0x3  }
0x34: {  	[smem:$0x3FBA] =	sst s10  }
0x35: {  	s10 =	sld [smem:$0x3FB9];
	_ =	sdelay $0x3  }
0x36: {  	p1 =	seq.s32 s10, $0x1;
	s10 =	sld [smem:$0x3FBA];
	_ =	sdelay $0x3  }
0x37: {  	[smem:$0x3FBA] =	sst s10  }
0x38: {  	s10 =	sld [smem:$0x3FBB]  }
0x39: {  	_ = 	snop;
	(pc) =	sbr.ind lr, $3  }
0x3a: {  	_ = 	snop  }
0x3b: {  	_ = 	snop  }
0x3c: {  	p2 =	seq.s32 s10, $0x1;
	s10 =	sld [smem:$0x3FBA]  }
0x3d: {  	_ =	shalt  }
0x3e: {  	_ =	shalt  }
0x3f: {  	_ =	shalt  }
0x40: {  	_ =	shalt  }
0x41: {  	_ =	shalt  }
0x42: {  	_ =	shalt  }
0x43: {  	_ =	shalt  }
0x44: {  	_ =	shalt  }
0x45: {  	_ =	shalt  }
0x46: {  	_ =	shalt  }
0x47: {  	_ =	shalt  }
0x48: {  	_ =	shalt  }
0x49: {  	_ =	shalt  }
0x4a: {  	_ =	shalt  }
0x4b: {  	_ =	shalt  }
0x4c: {  	_ =	shalt  }
0x4d: {  	_ =	shalt  }
0x4e: {  	_ =	shalt  }
0x4f: {  	_ =	shalt  }
0x50: {  	_ =	shalt  }
0x51: {  	_ =	shalt  }
0x52: {  	_ =	shalt  }
0x53: {  	_ =	shalt  }
0x54: {  	_ =	shalt  }
0x55: {  	_ =	shalt  }
0x56: {  	_ =	shalt  }
0x57: {  	_ =	shalt  }
0x58: {  	_ =	shalt  }
0x59: {  	_ =	shalt  }
0x5a: {  	_ =	shalt  }
0x5b: {  	_ =	shalt  }
0x5c: {  	_ =	shalt  }
0x5d: {  	_ =	shalt  }
0x5e: {  	_ =	shalt  }
0x5f: {  	_ =	shalt  }
0x60: {  	_ =	shalt  }
0x61: {  	_ =	shalt  }
0x62: {  	_ =	shalt  }
0x63: {  	_ =	shalt  }
0x64: {  	_ =	shalt  }
0x65: {  	_ =	shalt  }
0x66: {  	_ =	shalt  }
0x67: {  	_ =	shalt  }
0x68: {  	_ =	shalt  }
0x69: {  	_ =	shalt  }
0x6a: {  	_ =	shalt  }
0x6b: {  	_ =	shalt  }
0x6c: {  	_ =	shalt  }
0x6d: {  	_ =	shalt  }
0x6e: {  	_ =	shalt  }
0x6f: {  	_ =	shalt  }
0x70: {  	_ =	shalt  }
0x71: {  	_ =	shalt  }
0x72: {  	_ =	shalt  }
0x73: {  	_ =	shalt  }
0x74: {  	_ =	shalt  }
0x75: {  	_ =	shalt  }
0x76: {  	_ =	shalt  }
0x77: {  	_ =	shalt  }
0x78: {  	_ =	shalt  }
0x79: {  	_ =	shalt  }
0x7a: {  	_ =	shalt  }
0x7b: {  	_ =	shalt  }
0x7c: {  	_ =	shalt  }
0x7d: {  	_ =	shalt  }
0x7e: {  	_ =	shalt  }
0x7f: {  	_ =	shalt  }
0x80: {  	_ =	shalt  }
0x81: {  	_ =	shalt  }
0x82: {  	_ =	shalt  }
0x83: {  	_ =	shalt  }
0x84: {  	_ =	shalt  }
0x85: {  	_ =	shalt  }
0x86: {  	_ =	shalt  }
0x87: {  	_ =	shalt  }
.Lfunc_end0:
.L_simem_size_0:
called_computation.1_lowered:
.L_overlay_start_0:
0x88: {  	s2 =	sld [smem:$0x3FD9]  }
0x89: {  	s3 =	sld [smem:$0x3FFE];
	_ =	sdelay $0x1  }
0x8a: {  	s1 =	srdreg.scid  }
0x8b: {  	s0 =	sand.u32 $0x1, s1  }
0x8c: {  	s17 =	sshll.u32 s0, $0xA;
	s2 =	sadd.s32 s3, s2  }
0x8d: {  	s2 =	sadd.s32 s2, s17  }
0x8e: {  	[smem:$0x3FC6] =	sst s2  }
0x8f: {  	_ = 	snop  }
0x90: {  	s2 =	sld [smem:$0x3FD0];
	(tm) =	ssettm $0x1  }
0x91: {  	s18 =	sld [smem:$0x3FFB];
	_ =	sdelay $0x3  }
0x92: {  	_ =	strace s18  }
0x93: {  	s3 =	sld [smem:$0x3FFC];
	_ =	sdelay $0x3  }
0x94: {  	_ =	strace s3  }
0x95: {  	s3 =	sld [smem:$0x3FFD];
	_ =	sdelay $0x3  }
0x96: {  	_ =	strace s3  }
0x97: {  	_ =	strace $0x8FFFFFFF  }
0x98: {  	s19 =	sld [smem:$0x3FDB];
	_ =	sdelay $0x1  }
0x99: {  	s4 =	simm.s32 $_scs_section_size  }
0x9a: {  	s5 =	simm.s32 $_size__tile_overlayer_lowered;
	s6 =	simm.s32 $_tile_overlayer_lowered  }
0x9b: {  	s22 =	simm.s32 $0x1BFF;
	s21 =	sshll.u32 s6, $0x1;
	s3 =	sadd.s32 s4, s19  }
0x9c: {  	s7 =	simm.s32 $0x0;
	s20 =	sshll.u32 s5, $0x1;
	s5 =	sadd.s32 s21, s3  }
0x9d: {  	[timem:s7], [sflag:s22] =	dma.local [hbm:s5], s20  }
0x9e: {  	_ =	swait.ge [sflag:s22], s20  }
0x9f: {  	s4 =	ssub.s32 $0x0, s20;
	[sflag:s22] =	ssyncset.done $0x0  }
0xa0: {  	[sflag:s22] =	ssyncadd.s32 s4;
	_ =	sdelay $0x1  }
0xa1: {  	s23 =	simm.s32 $0x1B8B  }
0xa2: {  	_ =	swait.ge [sflag:s23], $0x1  }
0xa3: {  	[sflag:s23] =	ssyncset.done $0x0  }
0xa4: {  	s25 =	simm.s32 $0x1B8E;
	s24 =	sld [smem:$0x3FFE];
	[sflag:s23] =	ssyncadd.s32 $0xFFFFFFFF  }
0xa5: {  	s26 =	simm.s32 $execute0_lowered;
	[smem:$0x3FD2] =	sst s25  }
0xa6: {  	s5 =	sshll.u32 s26, $0x1;
	_ =	strace $0x80000046;
	[dreg:$0x1] =	wrdreg $0xFFFFFFFF  }
0xa7: {  	s28 =	simm.s32 $_size_execute0_lowered;
	s3 =	sadd.s32 s3, s5;
	[dreg:$0x0] =	wrdreg $0x0  }
0xa8: {  	s5 =	sshll.u32 s28, $0x1;
	[dreg:$0x2] =	wrdreg s3  }
0xa9: {  	[dreg:$0x3] =	wrdreg s5  }
0xaa: {  	[dreg:$0x4] =	wrdreg $0xC0  }
0xab: {  	_ =	task [dreg:s7], $0x5FFFF  }
0xac: {  	[dreg:$0x1] =	wrdreg $0xFFFFFFFF  }
0xad: {  	[dreg:$0x0] =	wrdreg $0x60  }
0xae: {  	[dreg:$0x2] =	wrdreg s24  }
0xaf: {  	[dreg:$0x3] =	wrdreg s2  }
0xb0: {  	[dreg:$0x4] =	wrdreg $0x0  }
0xb1: {  	[dreg:$0x5] =	wrdreg $0x9  }
0xb2: {  	_ =	task.clear_ibuf [dreg:s7], $0x6FFFF;
	_ =	strace $0x90000046  }
0xb3: {  	s29 =	simm.s32 $0x9;
	_ =	strace $0x80000048  }
0xb4: {  	_ =	swait.ge [sflag:s29], $0x1  }
0xb5: {  	[sflag:s29] =	ssyncadd.s32 $0xFFFFFFFF  }
0xb6: {  	_ =	strace $0x90000048  }
0xb7: {  	_ =	sfence  }
0xb8: {  	s30 =	sld [smem:$0x0];
	_ =	sdelay $0x2  }
0xb9: {  	s31 =	sshll.u32 s1, $0xD;
	s1 =	sshrl.u32 s1, $0x2  }
0xba: {  	s3 =	sand.u32 $0x4000, s31;
	s1 =	sadd.s32 s1, s30  }
0xbb: {  	s0 =	sor.u32 s3, s0;
	s1 =	sshll.u32 s1, $0x11  }
0xbc: {  	s0 =	sor.u32 s1, s0  }
0xbd: {  	s0 =	sadd.s32 $0x8F2B, s0  }
0xbe: {  	[sflag:s0] =	ssyncadd.remote.s32 $0x1  }
0xbf: {  	_ =	sfence.sel $0xFFFF  }
0xc0: {  	[dreg:$0x0] =	wrdreg $0xFFFFFFFF;
	(pc) =	sbr.abs _section_cstart, $3  }
0xc1: {  	[dreg:$0x1] =	wrdreg $0xFFFFFFFF  }
0xc2: {  	_ =	task.clear_ibuf [dreg:s7], $0x2FFFF;
	_ =	strace $0x9FFFFFFF  }
0xc3: {  	(tm) =	ssettm $0x7FFFFFFF  }
tec
execute0_lowered:
.L_overlay_start_1:
0x0: {  	(tag) =	ssettag $0x1  }
0x1: {  	s0 =	rddreg [dreg:$0x0]  }
0x2: {  	s2 =	rddreg [dreg:$0x2];
	s3 =	simm.s32 $0x0  }
0x3: {  	s1 =	srdreg.scid;
	s5 =	stileid.u32;
	s11 =	simm.s32 $0x2  }
0x4: {  	s12 =	simm.s32 $0x1DEC0;
	s13 =	simm.s32 $0x3;
	s14 =	simm.s32 $0x194C0  }
0x5: {  	s15 =	simm.s32 $0x1A740;
	s16 =	simm.s32 $0x1;
	s17 =	simm.s32 $0x1B9C0  }
0x6: {  	s18 =	simm.s32 $0x1CC40;
	[smem:$0x7FF] =	sst s3;
	s1 =	sand.u32 $0x1, s1  }
0x7: {  	s6 =	sadd.s32 $0x800, s0;
	s30 =	smul.u32 $0x12600, s5;
	s4 =	ssub.s32 $0x2, s1  }
0x8: {  	s7 =	sadd.s32 $0x126800, s0;
	s31 =	smul.u32 $0x24C0, s5;
	s29 =	sshrl.u32 s4, $0x1  }
0x9: {  	_ =	strace $0x80000047;
	[dreg:$0x4] =	wrdreg s30;
	s0 =	ssub.s32 s4, s29  }
0xa: {  	s19 =	simm.s32 $0x1260;
	[dreg:$0x6] =	wrdreg s31;
	s0 =	smax.u32 s0, $0x1  }
0xb: {  	v0 =	vimm.f32 $0.0e+00;
	v1 =	vlaneseq.u32;
	p0 =	seq.s32 s1, $0x1;
	s1 =	simm.s32 $0x0;
	[dreg:$0x5] =	wrdreg s0  }
.LBB2_1:
0xc: {  	[dreg:$0x7] =	wrdreg s1;
	s0 =	simm.s32 $0x40;
	s1 =	simm.s32 $0x0  }
.LBB2_2:
0xd: {  	p1 =	sne.s32 s0, $0x4940;
	[tilespmem:s1+$0x1DEC0] =	vst v0;
	s1 =	smov.u32 s0;
	s0 =	sadd.s32 $0x40, s0  }
.Ltmp0:
0xe: {  	(pc) =	sbr.rel @p1 .LBB2_2-.Ltmp0, $2  }
0xf: {  	_ =	sdelay $0x2  }
0x10: {  	s1 =	sshra.s32 s1, $0x2  }
0x11: {  	s0 =	simm.s32 $0x0  }
0x12: {  	[tilespmem:s1+$0x1DEC0] =	vst v0;
	p1 =	por p0, p0;
	s4 =	simm.s32 $0x0;
	[dreg:$0x8] =	wrdreg s0  }
.LBB2_4:
0x13: {  	s0 =	smul.u32 $0x126000, s4  }
0x14: {  	s5 =	simm.s32 $0x2;
	s1 =	srdreg.scid;
	s30 =	rddreg [dreg:$0x4]  }
0x15: {  	[dreg:$0x9] =	wrdreg s4;
	s5 =	simm.s32 @!p1 $0x1;
	s0 =	sadd.s32 s30, s0  }
0x16: {  	s1 =	sadd.s32 s1, s4;
	[dreg:$0xa] =	wrdreg s5;
	s4 =	sshrl.u32 s0, $0x3  }
0x17: {  	s1 =	sand.u32 $0x1, s1;
	s26 =	sadd.s32 $0x1260, s0;
	s31 =	sadd.s32 s7, s4  }
0x18: {  	s28 =	sadd.s32 $0x24C0, s0;
	s4 =	sadd.s32 s6, s4;
	[dreg:$0xb] =	wrdreg s31  }
0x19: {  	p2 =	seq.s32 s1, $0x0;
	[dreg:$0xc] =	wrdreg s4;
	s4 =	simm.s32 $0x0  }
.LBB2_5:
0x1a: {  	p4 =	seq.s32 s4, $0x0;
	s1 =	simm.s32 $0xB  }
0x1b: {  	s1 =	simm.s32 @!p4 $0xA  }
0x1c: {  	s0 =	rddreg [dreg:$0x6];
	s31 =	sshll.u32 s1, $0x1  }
0x1d: {  	s29 =	smul.u32 s0, s1;
	p3 =	sne.s32 s31, $0x1  }
.Ltmp1:
0x1e: {  	[dreg:$0xd] =	wrdreg s4;
	(pc) =	sbr.rel @!p3 .LBB2_7-.Ltmp1, $4  }
0x1f: {  	[dreg:$0xf] =	wrdreg s29;
	s30 =	sadd.s32 s29, s2  }
0x20: {  	[spmem:s30] =	stream.linear.scatter [tilespmem:s12], [sflag:$0x3], $0x1260, $0x38;
	[tilespmem:$0x1F140] =	vst v63  }
0x21: {  	s4 =	sadd.s32 $0xFFFFFFFF, s31;
	_ =	swait.ge [sflag:s13], $0x1260  }
0x22: {  	s5 =	smov.u32 s30;
	[dreg:$0xe] =	wrdreg s31;
	[sflag:s13] =	ssyncset.done $0x0  }
.LBB2_6:
0x23: {  	p5 =	sne.s32 s4, $0x1;
	[sflag:s13] =	ssyncadd.s32 $0xFFFFEDA0;
	s5 =	sadd.s32 $0x1260, s5  }
.Ltmp2:
0x24: {  	s4 =	sadd.s32 $0xFFFFFFFF, s4;
	(pc) =	sbr.rel @p5 .LBB2_6-.Ltmp2, $4  }
0x25: {  	_ = 	snop  }
0x26: {  	[spmem:s5] =	stream.linear.scatter [tilespmem:s12], [sflag:$0x3], $0x1260, $0x38;
	[tilespmem:$0x1F140] =	vst v63  }
0x27: {  	_ =	swait.ge [sflag:s13], $0x1260  }
0x28: {  	[sflag:s13] =	ssyncset.done $0x0  }
.LBB2_7:
0x29: {  	[sflag:s13] =	ssyncadd.s32 $0xFFFFEDA0  }
0x2a: {  	s5 =	simm.s32 $0x194400;
	s20 =	simm.s32 $0x0;
	[bflag:$0x0] =	sbarrier.arrive $0xFFFF  }
0x2b: {  	s9 =	smul.u32 $0x24C00, s1;
	s5 =	simm.s32 @!p4 $0x328800;
	s0 =	rddreg [dreg:$0xb]  }
0x2c: {  	[tilespmem:s14], [sflag:$0x1] =	stream.linear.gather [hbm4b:s0+s20], $0x1260, $0x38;
	[tilespmem:$0x1F140] =	vst v63  }
0x2d: {  	s31 =	rddreg [dreg:$0xc];
	s5 =	simm.s32 @p2 $0x0;
	s4 =	sor.u32 $0x240, s9  }
0x2e: {  	v3 =	vmov s9;
	v2 =	vmov s5;
	[tilespmem:s15], [sflag:$0x1] =	stream.linear.gather [hbm4b:s31+s20], $0x1260, $0x38;
	[tilespmem:$0x1F140] =	vst v63  }
.LBB2_8:
0x2f: {  	_ =	swait.ge [sflag:s16], $0x1260  }
0x30: {  	s8 =	smul.u32 $0x24C0, s20;
	[sflag:s16] =	ssyncset.done $0x0  }
0x31: {  	[sflag:s16] =	ssyncadd.s32 $0xFFFFEDA0  }
0x32: {  	s1 =	sadd.s32 s8, s26;
	_ =	swait.ge [sflag:s16], $0x1260  }
0x33: {  	s1 =	sshrl.u32 s1, $0x3;
	[sflag:s16] =	ssyncset.done $0x0  }
0x34: {  	s10 =	sadd.s32 s7, s1;
	[sflag:s16] =	ssyncadd.s32 $0xFFFFEDA0  }
0x35: {  	[tilespmem:s17], [sflag:$0x2] =	stream.linear.gather [hbm4b:s10+s3], $0x1260, $0x38;
	[tilespmem:$0x1F140] =	vst v63  }
0x36: {  	s22 =	simm.s32 $0x194E0;
	s1 =	sadd.s32 s6, s1  }
0x37: {  	[tilespmem:s18], [sflag:$0x2] =	stream.linear.gather [hbm4b:s1+s3], $0x1260, $0x38;
	[tilespmem:$0x1F140] =	vst v63  }
0x38: {  	v4 =	vld [tilespmem:s22+$0x10];
	_ =	sdelay $0x2  }
0x39: {  	v6 =	vld [tilespmem:s22+$0xFFFFFFE0]  }
0x3a: {  	v5 =	vld [tilespmem:s22+$0xFFFFFFF0]  }
0x3b: {  	s21 =	simm.s32 $0x10;
	s1 =	simm.s32 $0x30;
	v7 =	vsub.s32 v4, v2;
	v4 =	vld [tilespmem:s22+$0x0]  }
0x3c: {  	s23 =	simm.s32 $0x20;
	s0 =	simm.s32 $0x0;
	s24 =	sand.u32 $0x7F0, s1  }
0x3d: {  	s25 =	sand.u32 $0x7D0, s21;
	s21 =	sand.u32 $0x7C0, s0;
	s24 =	sadd.s32 s9, s24  }
0x3e: {  	s23 =	sand.u32 $0x7E0, s23;
	s10 =	simm.s32 $0x0;
	v8 =	vor.u32 s24, v1;
	s24 =	simm.s32 $0x19520;
	v6 =	vsub.s32 v6, v2;
	vm0 =	vlt.u32 v7, v3  }
.LBB2_9:
0x3f: {  	v9 =	vld [tilespmem:s24+$0x10];
	s10 =	sadd.s32 $0x4, s10;
	vm1 =	vlt.u32 v6, v3;
	s0 =	sadd.s32 s9, s21;
	v10 =	vsub.s32 v5, v2;
	s21 =	sadd.s32 s9, s25;
	v5 =	vsel vm0, v7, v8  }
0x40: {  	v8 =	vld [tilespmem:s24+$0xFFFFFFE0];
	p4 =	slt.u32 s10, $0x120;
	v7 =	vor.u32 s0, v1;
	vm0 =	vlt.u32 v10, v3;
	v11 =	vsub.s32 v4, v2;
	s0 =	sadd.s32 s9, s23;
	[tilespmem:s22+$0x10] =	vst v5  }
.Ltmp3:
0x41: {  	v12 =	vor.u32 s21, v1;
	v5 =	vld [tilespmem:s24+$0xFFFFFFF0];
	vm2 =	vlt.u32 v11, v3;
	v13 =	vor.u32 s0, v1;
	s0 =	smov.u32 s22;
	s22 =	smov.u32 s24;
	(pc) =	sbr.rel @p4 .LBB2_9-.Ltmp3, $4  }
0x42: {  	s1 =	sadd.s32 $0x40, s1;
	v6 =	vsel vm1, v6, v7;
	v10 =	vsel vm0, v10, v12;
	v4 =	vld [tilespmem:s24+$0x0];
	v11 =	vsel vm2, v11, v13  }
0x43: {  	s21 =	sadd.s32 $0xFFFFFFE0, s1;
	s23 =	sadd.s32 $0xFFFFFFF0, s1;
	s31 =	sand.u32 $0x7F0, s1;
	[tilespmem:s0+$0xFFFFFFE0] =	vst v6  }
0x44: {  	s29 =	sadd.s32 $0xFFFFFFD0, s1;
	s25 =	sand.u32 $0x7D0, s21;
	s31 =	sadd.s32 s9, s31;
	v7 =	vsub.s32 v9, v2;
	[tilespmem:s0+$0xFFFFFFF0] =	vst v10  }
0x45: {  	s21 =	sand.u32 $0x7C0, s29;
	s23 =	sand.u32 $0x7E0, s23;
	s24 =	sadd.s32 $0x40, s24;
	v6 =	vsub.s32 v8, v2;
	vm0 =	vlt.u32 v7, v3;
	v8 =	vor.u32 s31, v1;
	[tilespmem:s0+$0x0] =	vst v11  }
0x46: {  	vm1 =	vlt.u32 v6, v3;
	s0 =	sadd.s32 s9, s21;
	v5 =	vsub.s32 v5, v2  }
0x47: {  	s1 =	sadd.s32 s9, s25;
	v7 =	vsel vm0, v7, v8;
	v61 =	vor.u32 s0, v1;
	vm14 =	vlt.u32 v5, v3  }
0x48: {  	s31 =	sadd.s32 s9, s23;
	v4 =	vsub.s32 v4, v2;
	[tilespmem:s22+$0x10] =	vst v7;
	v62 =	vor.u32 s1, v1;
	v6 =	vsel vm1, v6, v61  }
0x49: {  	v63 =	vor.u32 s31, v1;
	vm15 =	vlt.u32 v4, v3;
	v5 =	vsel vm14, v5, v62;
	[tilespmem:s22+$0xFFFFFFE0] =	vst v6  }
0x4a: {  	v4 =	vsel vm15, v4, v63;
	[tilespmem:s22+$0xFFFFFFF0] =	vst v5  }
0x4b: {  	s10 =	smov.u32 s4;
	s1 =	simm.s32 $0x0;
	[tilespmem:s22+$0x0] =	vst v4  }
.LBB2_11:
0x4c: {  	s0 =	sshra.s32 s1, $0x2  }
0x4d: {  	v4 =	vld [tilespmem:s0+$0x1A700];
	_ =	sdelay $0x2  }
0x4e: {  	p4 =	sne.s32 s1, $0x40  }
.Ltmp4:
0x4f: {  	_ = 	snop;
	(pc) =	sbr.rel @p4 .LBB2_11-.Ltmp4, $4  }
0x50: {  	v4 =	vsub.s32 v4, v2  }
0x51: {  	v5 =	vor.u32 s10, v1;
	vm0 =	vlt.u32 v4, v3  }
0x52: {  	v4 =	vsel vm0, v4, v5  }
0x53: {  	s10 =	sadd.s32 $0x10, s10;
	s1 =	sadd.s32 $0x40, s1;
	[tilespmem:s0+$0x1A700] =	vst v4  }
0x54: {  	[spmem:s2] =	stream.indirect.scatter.add.f32 [tilespmem:s15], [sflag:$0x1], $0x1, s14, s19, $0xb8;
	[tilespmem:$0x1F140] =	vst v63  }
0x55: {  	_ =	swait.ge [sflag:s11], $0x1260  }
0x56: {  	[sflag:s11] =	ssyncset.done $0x0  }
0x57: {  	[sflag:s11] =	ssyncadd.s32 $0xFFFFEDA0  }
0x58: {  	_ =	swait.ge [sflag:s11], $0x1260  }
0x59: {  	[sflag:s11] =	ssyncset.done $0x0  }
0x5a: {  	s22 =	simm.s32 $0x1B9E0;
	[sflag:s11] =	ssyncadd.s32 $0xFFFFEDA0  }
0x5b: {  	v4 =	vld [tilespmem:s22+$0x10];
	_ =	sdelay $0x2  }
0x5c: {  	v6 =	vld [tilespmem:s22+$0xFFFFFFE0]  }
0x5d: {  	v5 =	vld [tilespmem:s22+$0xFFFFFFF0]  }
0x5e: {  	s1 =	simm.s32 $0x30;
	s10 =	simm.s32 $0x0;
	v7 =	vsub.s32 v4, v2;
	v4 =	vld [tilespmem:s22+$0x0]  }
0x5f: {  	s0 =	simm.s32 $0x10;
	s24 =	simm.s32 $0x20;
	s21 =	sand.u32 $0x7F0, s1  }
0x60: {  	s25 =	simm.s32 $0x0;
	s23 =	sand.u32 $0x7D0, s0;
	s31 =	sadd.s32 s9, s21  }
0x61: {  	s21 =	sand.u32 $0x7C0, s25;
	s25 =	sand.u32 $0x7E0, s24;
	s24 =	simm.s32 $0x1BA20;
	v8 =	vor.u32 s31, v1;
	v6 =	vsub.s32 v6, v2;
	vm0 =	vlt.u32 v7, v3  }
.LBB2_13:
0x62: {  	v9 =	vld [tilespmem:s24+$0x10];
	s10 =	sadd.s32 $0x4, s10;
	vm1 =	vlt.u32 v6, v3;
	s0 =	sadd.s32 s9, s21;
	v10 =	vsub.s32 v5, v2;
	s21 =	sadd.s32 s9, s23;
	v5 =	vsel vm0, v7, v8  }
0x63: {  	v8 =	vld [tilespmem:s24+$0xFFFFFFE0];
	p4 =	slt.u32 s10, $0x120;
	v7 =	vor.u32 s0, v1;
	vm0 =	vlt.u32 v10, v3;
	v11 =	vsub.s32 v4, v2;
	s0 =	sadd.s32 s9, s25;
	[tilespmem:s22+$0x10] =	vst v5  }
.Ltmp5:
0x64: {  	v12 =	vor.u32 s21, v1;
	v5 =	vld [tilespmem:s24+$0xFFFFFFF0];
	vm2 =	vlt.u32 v11, v3;
	v13 =	vor.u32 s0, v1;
	s0 =	smov.u32 s22;
	s22 =	smov.u32 s24;
	(pc) =	sbr.rel @p4 .LBB2_13-.Ltmp5, $4  }
0x65: {  	s1 =	sadd.s32 $0x40, s1;
	v6 =	vsel vm1, v6, v7;
	v10 =	vsel vm0, v10, v12;
	v4 =	vld [tilespmem:s24+$0x0];
	v11 =	vsel vm2, v11, v13  }
0x66: {  	s21 =	sadd.s32 $0xFFFFFFE0, s1;
	s25 =	sadd.s32 $0xFFFFFFF0, s1;
	s29 =	sand.u32 $0x7F0, s1;
	[tilespmem:s0+$0xFFFFFFE0] =	vst v6  }
0x67: {  	s31 =	sadd.s32 $0xFFFFFFD0, s1;
	s23 =	sand.u32 $0x7D0, s21;
	s29 =	sadd.s32 s9, s29;
	v7 =	vsub.s32 v9, v2;
	[tilespmem:s0+$0xFFFFFFF0] =	vst v10  }
0x68: {  	s21 =	sand.u32 $0x7C0, s31;
	s25 =	sand.u32 $0x7E0, s25;
	s24 =	sadd.s32 $0x40, s24;
	v6 =	vsub.s32 v8, v2;
	vm0 =	vlt.u32 v7, v3;
	v8 =	vor.u32 s29, v1;
	[tilespmem:s0+$0x0] =	vst v11  }
0x69: {  	vm1 =	vlt.u32 v6, v3;
	s0 =	sadd.s32 s9, s21;
	v5 =	vsub.s32 v5, v2  }
0x6a: {  	s1 =	sadd.s32 s9, s23;
	v7 =	vsel vm0, v7, v8;
	v61 =	vor.u32 s0, v1;
	vm14 =	vlt.u32 v5, v3  }
0x6b: {  	s31 =	sadd.s32 s9, s25;
	v4 =	vsub.s32 v4, v2;
	[tilespmem:s22+$0x10] =	vst v7;
	v62 =	vor.u32 s1, v1;
	v6 =	vsel vm1, v6, v61  }
0x6c: {  	v63 =	vor.u32 s31, v1;
	vm15 =	vlt.u32 v4, v3;
	v5 =	vsel vm14, v5, v62;
	[tilespmem:s22+$0xFFFFFFE0] =	vst v6  }
0x6d: {  	v4 =	vsel vm15, v4, v63;
	[tilespmem:s22+$0xFFFFFFF0] =	vst v5  }
0x6e: {  	s10 =	smov.u32 s4;
	s1 =	simm.s32 $0x0;
	[tilespmem:s22+$0x0] =	vst v4  }
.LBB2_15:
0x6f: {  	s0 =	sshra.s32 s1, $0x2  }
0x70: {  	v4 =	vld [tilespmem:s0+$0x1CC00];
	_ =	sdelay $0x2  }
0x71: {  	p4 =	sne.s32 s1, $0x40  }
.Ltmp6:
0x72: {  	_ = 	snop;
	(pc) =	sbr.rel @p4 .LBB2_15-.Ltmp6, $4  }
0x73: {  	v4 =	vsub.s32 v4, v2  }
0x74: {  	v5 =	vor.u32 s10, v1;
	vm0 =	vlt.u32 v4, v3  }
0x75: {  	v4 =	vsel vm0, v4, v5  }
0x76: {  	s10 =	sadd.s32 $0x10, s10;
	s1 =	sadd.s32 $0x40, s1;
	[tilespmem:s0+$0x1CC00] =	vst v4  }
0x77: {  	p4 =	seq.s32 s20, $0x7  }
0x78: {  	_ =	swait.ge [sflag:s16], $0x1260;
	s0 =	sadd.s32 @!p4 s8, s28  }
0x79: {  	[sflag:s16] =	ssyncset.done $0x0;
	s8 =	simm.s32 @!p4 $0x0;
	s0 =	sshrl.u32 @!p4 s0, $0x3  }
0x7a: {  	s10 =	simm.s32 @!p4 $0x194C0;
	[sflag:s16] =	ssyncadd.s32 $0xFFFFEDA0;
	s1 =	sadd.s32 @!p4 s7, s0  }
0x7b: {  	[tilespmem:s10], [sflag:$0x1] =	stream.linear.gather @!p4 [hbm4b:s1+s8], $0x1260, $0x38;
	[tilespmem:$0x1F140] =	vst v63  }
0x7c: {  	s20 =	sadd.s32 $0x1, s20;
	s0 =	sadd.s32 @!p4 s6, s0;
	s1 =	simm.s32 @!p4 $0x1A740  }
0x7d: {  	[tilespmem:s1], [sflag:$0x1] =	stream.linear.gather @!p4 [hbm4b:s0+s8], $0x1260, $0x38;
	[tilespmem:$0x1F140] =	vst v63  }
0x7e: {  	p4 =	sne.s32 s20, $0x8  }
.Ltmp7:
0x7f: {  	_ = 	snop;
	(pc) =	sbr.rel @p4 .LBB2_8-.Ltmp7, $4  }
0x80: {  	[spmem:s2] =	stream.indirect.scatter.add.f32 [tilespmem:s18], [sflag:$0x3], $0x1, s17, s19, $0xb8;
	[tilespmem:$0x1F140] =	vst v63  }
0x81: {  	_ =	swait.ge [sflag:s13], $0x1260  }
0x82: {  	[sflag:s13] =	ssyncset.done $0x0  }
0x83: {  	[sflag:s13] =	ssyncadd.s32 $0xFFFFEDA0  }
0x84: {  	[bflag:$0x0] =	sbarrier.arrive $0xFFFF  }
0x85: {  	s0 =	rddreg [dreg:$0x8]  }
0x86: {  	[tilespmem:s12], [sflag:$0x3] =	stream.linear.gather [spmem:s30], $0x1260, $0x38;
	[tilespmem:$0x1F140] =	vst v63  }
0x87: {  	s1 =	rddreg [dreg:$0xf];
	s0 =	sadd.s32 s5, s0;
	_ =	swait.ge [sflag:s13], $0x1260  }
0x88: {  	s0 =	sadd.s32 s1, s0;
	[sflag:s13] =	ssyncset.done $0x0  }
0x89: {  	s0 =	sshrl.u32 s0, $0x3;
	s29 =	rddreg [dreg:$0x1]  }
.Ltmp8:
0x8a: {  	[sflag:s13] =	ssyncadd.s32 $0xFFFFEDA0;
	s0 =	sadd.s32 s0, s29;
	(pc) =	sbr.rel @!p3 .LBB2_19-.Ltmp8, $4  }
0x8b: {  	[hbm4b:s0+s3] =	stream.linear.scatter [tilespmem:s12], [sflag:$0x3], $0x1260, $0x38;
	[tilespmem:$0x1F140] =	vst v63  }
0x8c: {  	_ =	swait.ge [sflag:s13], $0x1260  }
0x8d: {  	s31 =	rddreg [dreg:$0xe]  }
0x8e: {  	[sflag:s13] =	ssyncset.done $0x0;
	s1 =	sadd.s32 $0xFFFFFFFF, s31  }
.LBB2_18:
0x8f: {  	[sflag:s13] =	ssyncadd.s32 $0xFFFFEDA0;
	s30 =	sadd.s32 $0x1260, s30;
	s0 =	sadd.s32 $0x24C, s0  }
0x90: {  	[tilespmem:s12], [sflag:$0x3] =	stream.linear.gather [spmem:s30], $0x1260, $0x38;
	[tilespmem:$0x1F140] =	vst v63  }
0x91: {  	p3 =	sne.s32 s1, $0x1;
	s1 =	sadd.s32 $0xFFFFFFFF, s1;
	_ =	swait.ge [sflag:s13], $0x1260  }
.Ltmp9:
0x92: {  	[sflag:s13] =	ssyncset.done $0x0;
	(pc) =	sbr.rel @p3 .LBB2_18-.Ltmp9, $4  }
0x93: {  	[sflag:s13] =	ssyncadd.s32 $0xFFFFEDA0  }
0x94: {  	[hbm4b:s0+s3] =	stream.linear.scatter [tilespmem:s12], [sflag:$0x3], $0x1260, $0x38;
	[tilespmem:$0x1F140] =	vst v63  }
0x95: {  	_ =	swait.ge [sflag:s13], $0x1260  }
0x96: {  	[sflag:s13] =	ssyncset.done $0x0  }
.LBB2_19:
0x97: {  	[sflag:s13] =	ssyncadd.s32 $0xFFFFEDA0  }
0x98: {  	[bflag:$0x0] =	sbarrier.arrive $0xFFFF  }
0x99: {  	s0 =	simm.s32 $0x40;
	s1 =	simm.s32 $0x0;
	s4 =	rddreg [dreg:$0xd]  }
.LBB2_20:
0x9a: {  	p3 =	sne.s32 s0, $0x4940;
	[tilespmem:s1+$0x1DEC0] =	vst v0;
	s1 =	smov.u32 s0;
	s0 =	sadd.s32 $0x40, s0  }
.Ltmp10:
0x9b: {  	(pc) =	sbr.rel @p3 .LBB2_20-.Ltmp10, $2  }
0x9c: {  	_ =	sdelay $0x2  }
0x9d: {  	s1 =	sshra.s32 s1, $0x2  }
0x9e: {  	s4 =	sadd.s32 $0x1, s4;
	s0 =	rddreg [dreg:$0xa]  }
0x9f: {  	p3 =	sne.s32 s4, s0  }
.Ltmp11:
0xa0: {  	_ = 	snop;
	(pc) =	sbr.rel @p3 .LBB2_5-.Ltmp11, $2  }
0xa1: {  	_ =	sdelay $0x2  }
0xa2: {  	[tilespmem:s1+$0x1DEC0] =	vst v0  }
0xa3: {  	s4 =	rddreg [dreg:$0x9]  }
0xa4: {  	s4 =	sadd.s32 $0x1, s4  }
0xa5: {  	p2 =	sne.s32 s4, $0x8  }
.Ltmp12:
0xa6: {  	_ = 	snop;
	(pc) =	sbr.rel @p2 .LBB2_4-.Ltmp12, $4  }
0xa7: {  	_ = 	snop  }
0xa8: {  	s0 =	rddreg [dreg:$0x8]  }
0xa9: {  	s0 =	sadd.s32 $0x498000, s0  }
0xaa: {  	p1 =	por !p1, !p1;
	[dreg:$0x8] =	wrdreg s0  }
0xab: {  	s1 =	rddreg [dreg:$0x7]  }
0xac: {  	s0 =	rddreg [dreg:$0x5];
	s1 =	sadd.s32 $0x1, s1  }
0xad: {  	p1 =	sne.s32 s1, s0  }
.Ltmp13:
0xae: {  	_ = 	snop;
	(pc) =	sbr.rel @p1 .LBB2_1-.Ltmp13, $1  }
0xaf: {  	_ =	sdelay $0x3  }
0xb0: {  	_ =	sfence.sel $0x180000  }
0xb1: {  	[bflag:$0x0] =	sbarrier.arrive $0xFFFF  }
0xb2: {  	_ =	strace $0x90000047  }
0xb3: {  	s0 =	stileid.u32;
	[bflag:$0x2] =	sbarrier.arrive $0xFFFF  }
0xb4: {  	p0 =	sne.s32 s0, $0x0;
	s0 =	rddreg [dreg:$0x3]  }
0xb5: {  	s0 =	sadd.s32 @!p0 $0x100000, s0  }
0xb6: {  	[sflag:s0] =	ssyncadd.tile.s32 @!p0 $0x1;
	_ =	shalt  }
.Lfunc_end2:
_tile_overlayer_lowered:
.L_overlay_start_2:
0xb7: {  	(tag) =	ssettag $0x2  }
0xb8: {  	s0 =	rddreg [dreg:$0x0];
	s2 =	stileid.u32  }
0xb9: {  	s1 =	rddreg [dreg:$0x1];
	p0 =	sne.s32 s2, $0x0  }
0xba: {  	s3 =	rddreg [dreg:$0x2];
	[bflag:$0x3] =	sbarrier.arrive $0xFFFF;
	s2 =	simm.s32 @!p0 $0x1C03  }
0xbb: {  	[timem:s3], [sflag:s2] =	dma.local @!p0 [hbm:s0], s1  }
0xbc: {  	s0 =	simm.s32 @!p0 $0x3  }
0xbd: {  	_ =	swait.ge @!p0 [sflag:s0], s1  }
0xbe: {  	s1 =	ssub.s32 @!p0 $0x0, s1;
	[sflag:s0] =	ssyncset.done @!p0 $0x0  }
0xbf: {  	[sflag:s0] =	ssyncadd.s32 @!p0 s1  }
0xc0: {  	[bflag:$0x3] =	sbarrier.arrive $0xFFFF  }
0xc1: {  	_ =	shalt  }

// kernel: sparse-core-data-format-call.cloned.1.call-start
scs
called_computation_lowered:
.L_overlay_start_0:
0x0: {  	s2 =	sld [smem:$0x3FD9]  }
0x1: {  	s3 =	sld [smem:$0x3FFE];
	_ =	sdelay $0x1  }
0x2: {  	s1 =	srdreg.scid  }
0x3: {  	s0 =	sand.u32 $0x1, s1  }
0x4: {  	s18 =	sshll.u32 s0, $0xA;
	s2 =	sadd.s32 s3, s2  }
0x5: {  	s2 =	sadd.s32 s2, s18  }
0x6: {  	[smem:$0x3FC6] =	sst s2  }
0x7: {  	_ = 	snop  }
0x8: {  	s2 =	sld [smem:$0x3FD0];
	(tm) =	ssettm $0x1  }
0x9: {  	s19 =	sld [smem:$0x3FFB];
	_ =	sdelay $0x3  }
0xa: {  	_ =	strace s19  }
0xb: {  	s3 =	sld [smem:$0x3FFC];
	_ =	sdelay $0x3  }
0xc: {  	_ =	strace s3  }
0xd: {  	s3 =	sld [smem:$0x3FFD];
	_ =	sdelay $0x3  }
0xe: {  	_ =	strace s3  }
0xf: {  	_ =	strace $0x8FFFFFFF  }
0x10: {  	s20 =	sld [smem:$0x3FDB];
	_ =	sdelay $0x1  }
0x11: {  	s4 =	simm.s32 $_scs_section_size  }
0x12: {  	s5 =	simm.s32 $_size__tile_overlayer_lowered;
	s6 =	simm.s32 $_tile_overlayer_lowered  }
0x13: {  	s23 =	simm.s32 $0x1BFF;
	s22 =	sshll.u32 s6, $0x1;
	s3 =	sadd.s32 s4, s20  }
0x14: {  	s7 =	simm.s32 $0x0;
	s21 =	sshll.u32 s5, $0x1;
	s5 =	sadd.s32 s22, s3  }
0x15: {  	[timem:s7], [sflag:s23] =	dma.local [hbm:s5], s21  }
0x16: {  	_ =	swait.ge [sflag:s23], s21  }
0x17: {  	s4 =	ssub.s32 $0x0, s21;
	[sflag:s23] =	ssyncset.done $0x0  }
0x18: {  	[sflag:s23] =	ssyncadd.s32 s4;
	_ =	sdelay $0x1  }
0x19: {  	s24 =	simm.s32 $0x1B8B  }
0x1a: {  	_ =	swait.ge [sflag:s24], $0x1  }
0x1b: {  	[sflag:s24] =	ssyncset.done $0x0  }
0x1c: {  	s26 =	simm.s32 $0x1B8E;
	s25 =	sld [smem:$0x3FFE];
	[sflag:s24] =	ssyncadd.s32 $0xFFFFFFFF  }
0x1d: {  	s27 =	simm.s32 $execute0_lowered;
	[smem:$0x3FD2] =	sst s26  }
0x1e: {  	s5 =	sshll.u32 s27, $0x1;
	_ =	strace $0x80000049;
	[dreg:$0x1] =	wrdreg $0xFFFFFFFF  }
0x1f: {  	s28 =	simm.s32 $_size_execute0_lowered;
	s3 =	sadd.s32 s3, s5;
	[dreg:$0x0] =	wrdreg $0x0  }
0x20: {  	s5 =	sshll.u32 s28, $0x1;
	[dreg:$0x2] =	wrdreg s3  }
0x21: {  	[dreg:$0x3] =	wrdreg s5  }
0x22: {  	[dreg:$0x4] =	wrdreg $0xC0  }
0x23: {  	_ =	task [dreg:s7], $0x5FFFF  }
0x24: {  	[dreg:$0x1] =	wrdreg $0xFFFFFFFF  }
0x25: {  	[dreg:$0x0] =	wrdreg $0x60  }
0x26: {  	[dreg:$0x2] =	wrdreg s25  }
0x27: {  	[dreg:$0x3] =	wrdreg s2  }
0x28: {  	[dreg:$0x4] =	wrdreg $0x9  }
0x29: {  	_ =	task.clear_ibuf [dreg:s7], $0x5FFFF;
	_ =	strace $0x90000049  }
0x2a: {  	s29 =	simm.s32 $0x9;
	_ =	strace $0x8000004B  }
0x2b: {  	_ =	swait.ge [sflag:s29], $0x1  }
0x2c: {  	[sflag:s29] =	ssyncadd.s32 $0xFFFFFFFF  }
0x2d: {  	_ =	strace $0x9000004B  }
0x2e: {  	_ =	sfence  }
0x2f: {  	s30 =	sld [smem:$0x0];
	_ =	sdelay $0x2  }
0x30: {  	s31 =	sshll.u32 s1, $0xD;
	s1 =	sshrl.u32 s1, $0x2  }
0x31: {  	s3 =	sand.u32 $0x4000, s31;
	s1 =	sadd.s32 s1, s30  }
0x32: {  	s0 =	sor.u32 s3, s0;
	s1 =	sshll.u32 s1, $0x11  }
0x33: {  	s0 =	sor.u32 s1, s0  }
0x34: {  	s0 =	sadd.s32 $0x8F2B, s0  }
0x35: {  	[sflag:s0] =	ssyncadd.remote.s32 $0x1  }
0x36: {  	_ =	sfence.sel $0xFFFF  }
0x37: {  	[dreg:$0x0] =	wrdreg $0xFFFFFFFF;
	(pc) =	sbr.abs _section_cstart, $3  }
0x38: {  	[dreg:$0x1] =	wrdreg $0xFFFFFFFF  }
0x39: {  	_ =	task.clear_ibuf [dreg:s7], $0x2FFFF;
	_ =	strace $0x9FFFFFFF  }
0x3a: {  	(tm) =	ssettm $0x7FFFFFFF  }
0x3b: {  	_ =	shalt  }
tec
execute0_lowered:
.L_overlay_start_1:
0x0: {  	(tag) =	ssettag $0x1  }
0x1: {  	s0 =	rddreg [dreg:$0x0]  }
0x2: {  	s1 =	srdreg.scid;
	_ =	strace $0x8000004A;
	s2 =	stileid.u32  }
0x3: {  	s30 =	simm.s32 $0x1;
	s31 =	simm.s32 $0x2;
	s15 =	simm.s32 $0x0  }
0x4: {  	s16 =	simm.s32 $0x0;
	s17 =	simm.s32 $0x0;
	s8 =	simm.s32 $0x0  }
0x5: {  	s10 =	simm.s32 $0x0;
	s12 =	simm.s32 $0x0;
	s11 =	simm.s32 $0x0  }
.Ltmp0:
0x6: {  	s9 =	simm.s32 $0x0;
	s29 =	sshll.u32 s1, $0x4;
	(pc) =	sbr.rel .LBB1_1-.Ltmp0, $4  }
0x7: {  	s6 =	sadd.s32 $0x800, s0;
	[sflag:s30] =	ssyncpa.u1 $0x0;
	s0 =	sand.u32 $0x10, s29  }
0x8: {  	s7 =	sand.u32 $0x7, s2;
	[dreg:$0x3] =	wrdreg s6;
	s0 =	sor.u32 s2, s0  }
0x9: {  	[sflag:s31] =	ssyncpa.u1 $0x0;
	[dreg:$0x4] =	wrdreg s7;
	s22 =	sshrl.u32 s0, $0x3  }
0xa: {  	s14 =	smov.u32 s7;
	s13 =	smov.u32 s22;
	[dreg:$0x5] =	wrdreg s22  }
.LBB1_9:
0xb: {  	p0 =	sgt.s32 s8, $0x80;
	s3 =	smul.u32 $0xA8000, s12  }
0xc: {  	s0 =	smov.u32 s8;
	s1 =	sshrl.u32 s8, $0x5;
	s27 =	smul.u32 $0xC00, s10  }
0xd: {  	s4 =	sshrl.u32 s8, $0x3;
	s5 =	rddreg [dreg:$0x1];
	s0 =	simm.s32 @!p0 $0x80  }
0xe: {  	s28 =	sand.u32 $0x7, s8;
	s1 =	sand.u32 $0xFFFFFC, s1;
	s0 =	sadd.s32 s19, s0  }
0xf: {  	s29 =	rddreg [dreg:$0x6];
	s26 =	smulhi.u32 $0x2AAAAAB, s1;
	s2 =	sadd.s32 $0xFFFFFF80, s0  }
0x10: {  	s6 =	rddreg [dreg:$0x3];
	s0 =	ssub.s32 $0x100, s0;
	p0 =	sgt.s32 s2, $0x7F  }
0x11: {  	s7 =	rddreg [dreg:$0x4];
	s2 =	smul.u32 $0x60, s26;
	s0 =	simm.s32 @p0 $0x0  }
0x12: {  	s31 =	simm.s32 $0x800;
	s22 =	rddreg [dreg:$0x5];
	s0 =	smul.u32 s0, s18  }
0x13: {  	s4 =	sand.u32 $0xF, s4;
	s3 =	sadd.s32 s5, s3;
	s1 =	ssub.s32 s1, s2  }
0x14: {  	s2 =	sadd.s32 s27, s3;
	s3 =	sshll.u32 s28, $0x12;
	s0 =	smul.u32 $0x60, s0  }
0x15: {  	s1 =	sshll.u32 s1, $0x5;
	s2 =	sadd.s32 s4, s2;
	s4 =	sor.u32 $0x8000, s29  }
0x16: {  	s30 =	sor.u32 $0x400, s3;
	s1 =	sadd.s32 s1, s2;
	s0 =	sand.u32 $0x3FFFFFE0, s0  }
0x17: {  	[hbm4b:s1+s30] =	stream.strided.scatter [tilespmem:s4], [sflag:$0x2], s0, s31, s30, $0x20;
	[tilespmem:$0x10100] =	vst v63  }
.LBB1_10:
0x18: {  	p0 =	slt.u32 s9, $0x2  }
0x19: {  	p1 =	sgt.s32 @!p0 s17, $0x7  }
0x1a: {  	s0 =	smov.u32 s17;
	s1 =	sshra.s32 @!p0 s17, $0x1F;
	p1 =	por !p1, p0  }
0x1b: {  	s2 =	smov.u32 s16;
	s1 =	sand.u32 @!p0 s1, s17;
	s0 =	simm.s32 @p1 $0x7  }
0x1c: {  	s3 =	sshra.s32 @!p0 s16, $0x1F;
	p1 =	sgt.s32 @!p0 s16, $0xDF;
	s0 =	ssub.s32 @!p0 s0, s1  }
0x1d: {  	s4 =	sshra.s32 @!p0 s15, $0x1F;
	p2 =	por !p1, p0;
	s1 =	sadd.s32 @!p0 $0xFFFFFFF9, s0  }
0x1e: {  	s2 =	simm.s32 @p2 $0xDF;
	p1 =	sgt.s32 @!p0 s1, $0x0;
	s1 =	sand.u32 @!p0 s3, s16  }
0x1f: {  	s0 =	ssub.s32 @!p0 $0x8, s0;
	p2 =	sgt.s32 @!p0 s15, $0x80;
	s1 =	ssub.s32 @!p0 s2, s1  }
0x20: {  	p2 =	por !p2, p0;
	s3 =	smov.u32 s15;
	s2 =	sadd.s32 @!p0 $0xFFFFFF21, s1  }
0x21: {  	s3 =	simm.s32 @p2 $0x80;
	p2 =	sgt.s32 @!p0 s2, $0x0;
	s2 =	sand.u32 @!p0 s4, s15  }
0x22: {  	s0 =	smul.u32 @!p0 $0x60, s0;
	p1 =	por !p1, p0;
	s2 =	ssub.s32 @!p0 s3, s2  }
0x23: {  	s1 =	ssub.s32 @!p0 $0xE0, s1;
	p2 =	por !p2, p0;
	s3 =	sadd.s32 @!p0 $0xFFFFFF80, s2  }
0x24: {  	s0 =	simm.s32 @!p1 $0x0;
	s1 =	simm.s32 @!p2 $0x0;
	p2 =	sgt.s32 @!p0 s3, $0x7F  }
0x25: {  	s2 =	ssub.s32 @!p0 $0x100, s2;
	s0 =	smul.u32 @!p0 s1, s0;
	p1 =	por !p2, p0  }
0x26: {  	s1 =	sadd.s32 $0x80, s11;
	s3 =	smov.u32 s13;
	s2 =	simm.s32 @!p1 $0x0  }
0x27: {  	p1 =	sgt.s32 s1, $0xDF;
	s0 =	smul.u32 @!p0 s2, s0;
	s2 =	sadd.s32 $0x4, s13  }
0x28: {  	s3 =	smov.u32 @p1 s2  }
0x29: {  	s5 =	smov.u32 s14;
	s2 =	sadd.s32 $0x8, s14;
	p2 =	sgt.s32 s3, $0xDF  }
0x2a: {  	s9 =	sadd.s32 $0x1, s9;
	s5 =	smov.u32 @p2 s2  }
0x2b: {  	s17 =	smov.u32 s12;
	s1 =	simm.s32 @p1 $0x0;
	p1 =	sgt.s32 s5, $0x7  }
0x2c: {  	s12 =	smov.u32 s14;
	s5 =	smov.u32 @p1 s7;
	p1 =	sne.s32 s9, $0x72  }
.Ltmp1:
0x2d: {  	s16 =	smov.u32 s10;
	s10 =	smov.u32 s13;
	(pc) =	sbr.rel @!p1 .LBB1_11-.Ltmp1, $4  }
0x2e: {  	s4 =	simm.s32 @!p0 $0x2;
	s15 =	smov.u32 s8;
	s0 =	sand.u32 @!p0 $0x3FFFFFE0, s0  }
0x2f: {  	s8 =	smov.u32 s11;
	s11 =	smov.u32 s1;
	_ =	swait.ge @!p0 [sflag:s4], s0  }
0x30: {  	s0 =	ssub.s32 @!p0 $0x0, s0;
	s3 =	smov.u32 @p2 s22;
	[sflag:s4] =	ssyncset.done @!p0 $0x0  }
0x31: {  	s13 =	smov.u32 s3;
	[sflag:s4] =	ssyncadd.s32 @!p0 s0;
	s14 =	smov.u32 s5  }
.LBB1_1:
0x32: {  	p0 =	sgt.u32 s9, $0x6F;
	s18 =	smov.u32 s14  }
0x33: {  	s0 =	sand.u32 @!p0 $0x1FFFFFF, s11;
	p1 =	sgt.s32 @!p0 s14, $0x7;
	s19 =	sshra.s32 @!p0 s14, $0x1F  }
0x34: {  	s20 =	sshra.s32 @!p0 s13, $0x1F;
	s1 =	smulhi.u32 @!p0 $0x2492493, s0;
	p1 =	por !p1, p0  }
0x35: {  	s19 =	sand.u32 @!p0 s19, s14;
	s20 =	sand.u32 @!p0 s20, s13;
	s18 =	simm.s32 @p1 $0x7  }
0x36: {  	p1 =	sgt.s32 @!p0 s13, $0xDF;
	s1 =	sshrl.u32 @!p0 s1, $0x1;
	s18 =	ssub.s32 @!p0 s18, s19  }
0x37: {  	p1 =	por !p1, p0;
	s19 =	smov.u32 s13;
	s1 =	smul.u32 @!p0 $0xE0, s1  }
0x38: {  	s19 =	simm.s32 @p1 $0xDF;
	p1 =	sgt.s32 @!p0 s11, $0x60;
	s18 =	sadd.s32 @!p0 $0xFFFFFFF9, s18  }
0x39: {  	s19 =	ssub.s32 @!p0 s19, s20;
	p1 =	por !p1, p0;
	s20 =	smov.u32 s11  }
0x3a: {  	p2 =	sgt.s32 @!p0 s18, $0x0;
	s18 =	sshll.u32 @!p0 s18, $0x7;
	s21 =	sadd.s32 @!p0 $0xFFFFFF21, s19  }
0x3b: {  	s20 =	simm.s32 @p1 $0x60;
	p1 =	sgt.s32 @!p0 s21, $0x0;
	s21 =	sshra.s32 @!p0 s11, $0x1F  }
0x3c: {  	s19 =	ssub.s32 @!p0 $0xE0, s19;
	s18 =	ssub.s32 @!p0 $0x80, s18;
	s21 =	sand.u32 @!p0 s21, s11  }
0x3d: {  	p2 =	por !p2, p0;
	p1 =	por !p1, p0;
	s20 =	ssub.s32 @!p0 s20, s21  }
0x3e: {  	s18 =	simm.s32 @!p2 $0x0;
	s19 =	simm.s32 @!p1 $0x0;
	s21 =	sadd.s32 @!p0 $0xFFFFFFA0, s20  }
0x3f: {  	s0 =	ssub.s32 @!p0 s0, s1;
	s18 =	smul.u32 @!p0 s19, s18;
	p1 =	sgt.s32 @!p0 s21, $0x7F  }
0x40: {  	s19 =	ssub.s32 @!p0 $0xE0, s20;
	s20 =	smul.u32 @!p0 $0xC4000, s14;
	p1 =	por !p1, p0  }
0x41: {  	s1 =	smul.u32 @!p0 $0xE00, s13;
	s21 =	sxor.u32 @!p0 $0xFFFFFFFF, s9;
	s19 =	simm.s32 @!p1 $0x0  }
0x42: {  	s21 =	sshll.u32 @!p0 s21, $0xE;
	s18 =	smul.u32 @!p0 s19, s18;
	s19 =	sadd.s32 @!p0 s6, s20  }
0x43: {  	s0 =	sshll.u32 @!p0 s0, $0x4;
	s20 =	sand.u32 @!p0 $0x4000, s21;
	s1 =	sadd.s32 @!p0 s1, s19  }
0x44: {  	s18 =	sand.u32 @!p0 $0x3FFFFF80, s18;
	s0 =	sadd.s32 @!p0 s0, s1;
	s1 =	simm.s32 @!p0 $0x0  }
0x45: {  	[tilespmem:s20], [sflag:$0x1] =	stream.linear.gather @!p0 [hbm4b:s0+s1], s18, $0x38;
	[tilespmem:$0x10100] =	vst v63  }
0x46: {  	p0 =	seq.s32 s9, $0x0  }
0x47: {  	p1 =	seq.s32 @!p0 s9, $0x71  }
0x48: {  	p0 =	por p0, p1  }
.Ltmp2:
0x49: {  	_ = 	snop;
	(pc) =	sbr.rel @p0 .LBB1_10-.Ltmp2, $1  }
0x4a: {  	_ =	sdelay $0x3  }
0x4b: {  	p0 =	sgt.s32 s12, $0x7;
	s0 =	smov.u32 s12;
	s1 =	sshra.s32 s12, $0x1F  }
0x4c: {  	s18 =	sshra.s32 s10, $0x1F;
	s26 =	ssub.s32 $0x0, s8;
	s27 =	sshra.s32 s8, $0x1F  }
0x4d: {  	p1 =	sgt.s32 s8, $0x60;
	s20 =	smov.u32 s8;
	s0 =	simm.s32 @!p0 $0x7  }
0x4e: {  	s1 =	sand.u32 s1, s12;
	p0 =	sgt.s32 s10, $0xDF;
	s18 =	sand.u32 s18, s10  }
0x4f: {  	s20 =	simm.s32 @!p1 $0x60;
	s0 =	ssub.s32 s0, s1;
	s1 =	smov.u32 s10  }
0x50: {  	s19 =	sadd.s32 $0xFFFFFFF9, s0;
	s1 =	simm.s32 @!p0 $0xDF;
	s0 =	ssub.s32 $0x8, s0  }
0x51: {  	p0 =	sgt.s32 s19, $0x0;
	s1 =	ssub.s32 s1, s18;
	s19 =	sand.u32 s26, s27  }
0x52: {  	s21 =	sadd.s32 $0xFFFFFF21, s1;
	s1 =	ssub.s32 $0xE0, s1;
	s18 =	sadd.s32 s19, s20  }
0x53: {  	s0 =	simm.s32 @p0 $0x0;
	p1 =	sgt.s32 s21, $0x0;
	s20 =	sadd.s32 $0xFFFFFFA0, s18  }
0x54: {  	s1 =	simm.s32 @p1 $0x0;
	s28 =	sshll.u32 s20, $0x7;
	p0 =	sgt.s32 s20, $0x7F  }
0x55: {  	s18 =	smul.u32 s0, s1;
	s0 =	ssub.s32 $0x4000, s28;
	s1 =	sadd.s32 $0x1, s12  }
0x56: {  	s20 =	sadd.s32 $0x1, s10;
	s0 =	simm.s32 @p0 $0x0;
	p0 =	slt.s32 s1, $0x8  }
0x57: {  	s1 =	simm.s32 @!p0 $0x8;
	p0 =	slt.s32 s20, $0xE0  }
0x58: {  	s21 =	ssub.s32 s1, s12;
	s20 =	simm.s32 @!p0 $0xE0;
	s1 =	sadd.s32 $0x80, s8  }
0x59: {  	s22 =	ssub.s32 s20, s10;
	p1 =	slt.s32 s1, $0xE0;
	p0 =	slt.s32 s21, $0x1  }
0x5a: {  	s1 =	simm.s32 @!p1 $0xE0;
	p1 =	slt.s32 @!p0 s22, $0x1  }
0x5b: {  	s23 =	ssub.s32 s1, s8;
	p1 =	por p0, p1  }
0x5c: {  	p2 =	slt.s32 @!p1 s23, $0x1  }
0x5d: {  	s0 =	smul.u32 s18, s0;
	p1 =	por p1, p2  }
.Ltmp3:
0x5e: {  	_ = 	snop;
	(pc) =	sbr.rel @p1 .LBB1_9-.Ltmp3, $4  }
0x5f: {  	s2 =	simm.s32 $0x1;
	s29 =	sand.u32 $0x3FFFFF80, s0;
	s0 =	sand.u32 $0x1, s9  }
0x60: {  	_ =	swait.ge [sflag:s2], s29;
	s31 =	smul.u32 $0x4080, s0  }
0x61: {  	s30 =	ssub.s32 $0x0, s29;
	[sflag:s2] =	ssyncset.done $0x0  }
0x62: {  	[sflag:s2] =	ssyncadd.s32 s30;
	[dreg:$0x6] =	wrdreg s31  }
0x63: {  	s24 =	sshll.u32 @!p0 s0, $0xE;
	s0 =	rddreg [dreg:$0x6]  }
0x64: {  	s26 =	simm.s32 $0x0;
	s25 =	sor.u32 @!p0 $0x8000, s0  }
.LBB1_4:
0x65: {  	s27 =	simm.s32 $0x0  }
.LBB1_5:
0x66: {  	s0 =	sadd.s32 s26, s27  }
0x67: {  	s1 =	sshll.u32 s0, $0x10  }
0x68: {  	s1 =	sshra.s32 s1, $0x2  }
0x69: {  	s1 =	sadd.s32 s1, s24  }
0x6a: {  	s29 =	simm.s32 $0x0;
	s7 =	simm.s32 $0x0;
	s0 =	smul.u32 $0x10200, s0;
	v0 =	vmov s1  }
0x6b: {  	s31 =	simm.s32 $0x10;
	s4 =	simm.s32 $0x30;
	s3 =	simm.s32 $0x50  }
0x6c: {  	s31 =	sand.u32 $0x78, s31;
	s4 =	sand.u32 $0x78, s4;
	s0 =	sshra.s32 s0, $0x2  }
0x6d: {  	s31 =	smul.u32 $0x204, s31;
	s28 =	sadd.s32 s0, s25;
	s0 =	sand.u32 $0x78, s7  }
0x6e: {  	s4 =	smul.u32 $0x204, s4;
	s1 =	sand.u32 $0x3F80, s29;
	s2 =	sxor.u32 $0x40, s0  }
0x6f: {  	s30 =	simm.s32 $0x1;
	s3 =	sand.u32 $0x78, s3;
	s2 =	smul.u32 $0x204, s2;
	v1 =	vld.idx.msk [tilespmem:v0+s1+$0x40 ss:$0x1], $0xffff  }
0x70: {  	p0 =	sne.s32 s23, $0x1;
	s5 =	sand.u32 $0x7F, s29;
	s3 =	smul.u32 $0x204, s3  }
0x71: {  	s7 =	simm.s32 $0x20;
	s0 =	smul.u32 $0x204, s0;
	s2 =	sshrl.u32 s2, $0x2;
	v2 =	vld.idx.msk [tilespmem:v0+s1+$0x0 ss:$0x1], $0xffff  }
0x72: {  	s31 =	sshrl.u32 s31, $0x2;
	s7 =	sand.u32 $0x78, s7;
	v3 =	vld.idx.msk [tilespmem:v0+s1+$0x10 ss:$0x1], $0xffff;
	s2 =	sadd.s32 s2, s28  }
0x73: {  	s7 =	smul.u32 $0x204, s7;
	s0 =	sshrl.u32 s0, $0x2;
	v4 =	vld.idx.msk [tilespmem:v0+s1+$0x20 ss:$0x1], $0xffff;
	s2 =	sadd.s32 s5, s2  }
.Ltmp4:
0x74: {  	s4 =	sshrl.u32 s4, $0x2;
	s0 =	sadd.s32 s0, s28;
	[tilespmem:s2+$0x0 ss:$0x81] =	vst.msk $0xffff, v1;
	v1 =	vld.idx.msk [tilespmem:v0+s1+$0x30 ss:$0x1], $0xffff;
	(pc) =	sbr.rel @!p0 .LBB1_7-.Ltmp4, $4  }
0x75: {  	s20 =	sadd.s32 s31, s28;
	s7 =	sshrl.u32 s7, $0x2;
	s0 =	sadd.s32 s5, s0  }
0x76: {  	s3 =	sshrl.u32 s3, $0x2;
	s7 =	sadd.s32 s7, s28;
	[tilespmem:s0+$0x0 ss:$0x81] =	vst.msk $0xffff, v2;
	s2 =	sadd.s32 s5, s20;
	v2 =	vld.idx.msk [tilespmem:v0+s1+$0x50 ss:$0x1], $0xffff  }
0x77: {  	s6 =	sadd.s32 s4, s28;
	s20 =	sadd.s32 s5, s7;
	[tilespmem:s2+$0x0 ss:$0x81] =	vst.msk $0xffff, v3;
	s2 =	sadd.s32 s3, s28  }
0x78: {  	s31 =	simm.s32 $0x2808;
	s1 =	sadd.s32 s5, s6;
	[tilespmem:s20+$0x0 ss:$0x81] =	vst.msk $0xffff, v4;
	s0 =	sadd.s32 s5, s2  }
.LBB1_6:
0x79: {  	s2 =	sadd.s32 $0xFFFFD800, s31;
	s3 =	sadd.s32 $0xFFFFE000, s31;
	[tilespmem:s1+$0x0 ss:$0x81] =	vst.msk $0xffff, v1;
	s1 =	smov.u32 s30  }
0x7a: {  	s30 =	sadd.s32 $0x1, s30;
	s29 =	sadd.s32 $0x80, s29;
	s4 =	sadd.s32 $0xFFFFE800, s31  }
0x7b: {  	s5 =	sadd.s32 $0xFFFFF000, s31;
	s2 =	sshrl.u32 s2, $0x7;
	p0 =	sne.s32 s23, s30;
	[tilespmem:s0+$0x0 ss:$0x81] =	vst.msk $0xffff, v2  }
0x7c: {  	s6 =	sshrl.u32 s31, $0x7;
	s0 =	sand.u32 $0x3F80, s29;
	s2 =	sand.u32 $0x78, s2  }
0x7d: {  	s3 =	sshrl.u32 s3, $0x7;
	s4 =	sshrl.u32 s4, $0x7;
	v3 =	vld.idx.msk [tilespmem:v0+s0+$0x40 ss:$0x1], $0xffff;
	s7 =	sxor.u32 $0x40, s2  }
0x7e: {  	s5 =	sshrl.u32 s5, $0x7;
	s6 =	sand.u32 $0x78, s6;
	v4 =	vld.idx.msk [tilespmem:v0+s0+$0x0 ss:$0x1], $0xffff;
	s7 =	smul.u32 $0x204, s7  }
0x7f: {  	s20 =	sand.u32 $0x7F, s1;
	s3 =	sand.u32 $0x78, s3;
	s4 =	sand.u32 $0x78, s4;
	v5 =	vld.idx.msk [tilespmem:v0+s0+$0x10 ss:$0x1], $0xffff  }
0x80: {  	s5 =	sand.u32 $0x78, s5;
	s1 =	smul.u32 $0x204, s2;
	v6 =	vld.idx.msk [tilespmem:v0+s0+$0x20 ss:$0x1], $0xffff;
	s7 =	sshrl.u32 s7, $0x2  }
0x81: {  	s3 =	smul.u32 $0x204, s3;
	v1 =	vld.idx.msk [tilespmem:v0+s0+$0x30 ss:$0x1], $0xffff;
	s2 =	sadd.s32 s7, s28  }
0x82: {  	s2 =	sadd.s32 s20, s2;
	v2 =	vld.idx.msk [tilespmem:v0+s0+$0x50 ss:$0x1], $0xffff;
	s0 =	sshrl.u32 s1, $0x2;
	s1 =	smul.u32 $0x204, s4  }
0x83: {  	s4 =	smul.u32 $0x204, s6;
	[tilespmem:s2+$0x0 ss:$0x81] =	vst.msk $0xffff, v3  }
0x84: {  	s0 =	sadd.s32 s0, s28;
	s2 =	sshrl.u32 s3, $0x2;
	s3 =	smul.u32 $0x204, s5  }
.Ltmp5:
0x85: {  	s2 =	sadd.s32 s2, s28;
	s1 =	sshrl.u32 s1, $0x2;
	(pc) =	sbr.rel @p0 .LBB1_6-.Ltmp5, $4  }
0x86: {  	s0 =	sadd.s32 s20, s0;
	s1 =	sadd.s32 s1, s28;
	s3 =	sshrl.u32 s3, $0x2  }
0x87: {  	[tilespmem:s0+$0x0 ss:$0x81] =	vst.msk $0xffff, v4;
	s0 =	sadd.s32 s20, s2;
	s2 =	sadd.s32 s3, s28;
	s3 =	sshrl.u32 s4, $0x2  }
0x88: {  	[tilespmem:s0+$0x0 ss:$0x81] =	vst.msk $0xffff, v5;
	s0 =	sadd.s32 s20, s1;
	s1 =	sadd.s32 s20, s2;
	s2 =	sadd.s32 s3, s28  }
0x89: {  	s31 =	sadd.s32 $0x8, s31;
	[tilespmem:s0+$0x0 ss:$0x81] =	vst.msk $0xffff, v6;
	s0 =	sadd.s32 s20, s2  }
.LBB1_7:
0x8a: {  	s27 =	sadd.s32 $0x1, s27  }
0x8b: {  	p0 =	sne.s32 s27, s22  }
.Ltmp6:
0x8c: {  	_ = 	snop;
	(pc) =	sbr.rel @p0 .LBB1_5-.Ltmp6, $3  }
0x8d: {  	_ =	sdelay $0x1  }
0x8e: {  	[tilespmem:s1+$0x0 ss:$0x81] =	vst.msk $0xffff, v1  }
0x8f: {  	[tilespmem:s0+$0x0 ss:$0x81] =	vst.msk $0xffff, v2  }
0x90: {  	s26 =	sadd.s32 $0x1, s26  }
0x91: {  	p0 =	sne.s32 s26, s21  }
.Ltmp7:
0x92: {  	_ = 	snop;
	(pc) =	sbr.rel @p0 .LBB1_4-.Ltmp7, $4  }
.Ltmp8:
0x93: {  	_ = 	snop;
	(pc) =	sbr.rel @!p0 .LBB1_9-.Ltmp8, $4  }
0x94: {  	_ = 	snop  }
0x95: {  	_ = 	snop  }
0x96: {  	_ = 	snop  }
0x97: {  	_ = 	snop  }
.LBB1_11:
0x98: {  	_ =	sfence.sel $0x180000  }
0x99: {  	s0 =	simm.s32 $0x1;
	[bflag:$0x0] =	sbarrier.arrive $0xFFFF  }
0x9a: {  	s30 =	simm.s32 $0x2;
	[sflag:s0] =	ssyncpa.u1 $0x1  }
0x9b: {  	[sflag:s30] =	ssyncpa.u1 $0x1  }
0x9c: {  	_ =	strace $0x9000004A  }
0x9d: {  	s31 =	stileid.u32;
	[bflag:$0x2] =	sbarrier.arrive $0xFFFF  }
0x9e: {  	p0 =	sne.s32 s31, $0x0;
	s0 =	rddreg [dreg:$0x2]  }
0x9f: {  	s0 =	sadd.s32 @!p0 $0x100000, s0  }
0xa0: {  	[sflag:s0] =	ssyncadd.tile.s32 @!p0 $0x1;
	_ =	shalt  }
.Lfunc_end1:
_tile_overlayer_lowered:
.L_overlay_start_2:
0xa1: {  	(tag) =	ssettag $0x2  }
0xa2: {  	s0 =	rddreg [dreg:$0x0];
	s2 =	stileid.u32  }
0xa3: {  	s1 =	rddreg [dreg:$0x1];
	p0 =	sne.s32 s2, $0x0  }
0xa4: {  	s3 =	rddreg [dreg:$0x2];
	[bflag:$0x3] =	sbarrier.arrive $0xFFFF;
	s2 =	simm.s32 @!p0 $0x1C01  }
0xa5: {  	[timem:s3], [sflag:s2] =	dma.local @!p0 [hbm:s0], s1  }
0xa6: {  	s0 =	simm.s32 @!p0 $0x1  }
0xa7: {  	_ =	swait.ge @!p0 [sflag:s0], s1  }
0xa8: {  	s1 =	ssub.s32 @!p0 $0x0, s1;
	[sflag:s0] =	ssyncset.done @!p0 $0x0  }
0xa9: {  	[sflag:s0] =	ssyncadd.s32 @!p0 s1  }
0xaa: {  	[bflag:$0x3] =	sbarrier.arrive $0xFFFF  }
0xab: {  	_ =	shalt  }

</sc_bundles>
